<compile_context>
chip_gen: v7x
topology: tpu7x:2x2x1
jax: 0.10.2.dev20260603
libtpu: 0.0.44.dev20260713+nightly
codegen_flags: <defaults>
</compile_context>

<pallas_src>
import jax
import jax.numpy as jnp
from jax import lax
from jax.experimental import pallas as pl
from jax.experimental.pallas import tpu as pltpu
from jax.experimental.pallas import tpu_sc as plsc

T = 2048
D = 1024
E = 8
NGROUP = 4
I = 512
NSH = 2
SCALE = 1.5

TB = 256
NT = T // TB
C = T
CB = C // TB
SLOTS = E * C
SB = 512
CBS = C // SB
NB = 16

_NC, _NS = 2, 16
_NW = _NC * _NS
TPW = T // _NW


def _dot_t(a, b):
    return jax.lax.dot_general(a, b, (((1,), (1,)), ((), ())),
                               preferred_element_type=jnp.float32)



def _router_body(x_ref, gw_ref, bias_ref, d0_ref, d1_ref, w1_ref,
                 w2_ref, cnt_ref, bexp_ref, brow_ref):
    x = x_ref[...]
    logits = _dot_t(x, gw_ref[...])
    m = jnp.max(logits, axis=1, keepdims=True)
    ex = jnp.exp(logits - m)
    p = ex / jnp.sum(ex, axis=1, keepdims=True)

    li = jax.lax.broadcasted_iota(jnp.int32, (T, E), 1)
    pcol = [jnp.sum(jnp.where(li == e, p, 0.0), axis=1, keepdims=True)
            for e in range(E)]
    sccol = [pcol[e] + bias_ref[0, e] for e in range(E)]

    gs = [sccol[2 * g] + sccol[2 * g + 1] for g in range(NGROUP)]

    neg = jnp.float32(-jnp.inf)

    def first_argmax(cols):
        v = cols[0]
        for c in cols[1:]:
            v = jnp.maximum(v, c)
        idx = jnp.full_like(v, float(len(cols)))
        for j in range(len(cols) - 1, -1, -1):
            idx = jnp.where(cols[j] == v, float(j), idx)
        return v, idx

    _, g1 = first_argmax(gs)
    gs2 = [jnp.where(g1 == float(g), neg, gs[g]) for g in range(NGROUP)]
    _, g2 = first_argmax(gs2)

    masked = [jnp.where((g1 == float(e // 2)) | (g2 == float(e // 2)),
                        sccol[e], neg) for e in range(E)]
    _, e1 = first_argmax(masked)
    masked2 = [jnp.where(e1 == float(e), neg, masked[e]) for e in range(E)]
    _, e2 = first_argmax(masked2)

    def pick(idx, cols):
        v = jnp.zeros_like(cols[0])
        for j in range(len(cols)):
            v = jnp.where(idx == float(j), cols[j], v)
        return v

    w1 = pick(e1, pcol)
    w2 = pick(e2, pcol)
    s = w1 + w2
    w1_ref[...] = w1 / s
    w2_ref[...] = w2 / s

    lif = li.astype(jnp.float32)
    cnt = (jnp.where(lif == e1, 1.0, 0.0)
           + jnp.where(lif == e2, 1.0, 0.0))
    rows = jax.lax.broadcasted_iota(jnp.int32, (T, T), 0)
    cols_ = jax.lax.broadcasted_iota(jnp.int32, (T, T), 1)
    ltri = jnp.where(rows >= cols_, 1.0, 0.0)
    incl = jnp.dot(ltri, cnt, preferred_element_type=jnp.float32)
    ex_cum = incl - cnt

    rank0 = jnp.sum(jnp.where(lif == e1, ex_cum, 0.0), axis=1, keepdims=True)
    rank1 = jnp.sum(jnp.where(lif == e2, ex_cum, 0.0), axis=1, keepdims=True)
    d0_ref[...] = (e1 * float(C) + rank0).astype(jnp.int32)
    d1_ref[...] = (e2 * float(C) + rank1).astype(jnp.int32)
    counts = jnp.sum(cnt, axis=0, keepdims=True)
    cnt_ref[...] = counts.astype(jnp.int32)

    ccol = [jnp.sum(jnp.where(li[:1] == e, counts, 0.0), axis=1,
                    keepdims=True) for e in range(E)]
    nbcol = [jnp.floor((c + float(SB - 1)) / float(SB)) for c in ccol]
    c_incl = []
    run = jnp.zeros_like(nbcol[0])
    for e in range(E):
        run = run + nbcol[e]
        c_incl.append(run)
    svec = jax.lax.broadcasted_iota(jnp.int32, (NB, 1), 0).astype(jnp.float32)
    be = jnp.zeros((NB, 1), jnp.float32)
    for e in range(E):
        be = be + jnp.where(svec >= c_incl[e], 1.0, 0.0)
    cum_ex = [c_incl[e] - nbcol[e] for e in range(E)]
    base = jnp.zeros((NB, 1), jnp.float32)
    for e in range(E):
        base = jnp.where(be == float(e), cum_ex[e], base)
    binner = svec - base
    inactive = svec >= c_incl[E - 1]
    be = jnp.where(inactive, float(E - 1), be)
    brow = jnp.where(inactive, float(E * CBS - 1), be * float(CBS) + binner)
    bexp_ref[...] = be.astype(jnp.int32)
    brow_ref[...] = brow.astype(jnp.int32)


def _router(x, gate_w, bias):
    return pl.pallas_call(
        _router_body,
        out_shape=(
            jax.ShapeDtypeStruct((T, 1), jnp.int32),
            jax.ShapeDtypeStruct((T, 1), jnp.int32),
            jax.ShapeDtypeStruct((T, 1), jnp.float32),
            jax.ShapeDtypeStruct((T, 1), jnp.float32),
            jax.ShapeDtypeStruct((1, E), jnp.int32),
            jax.ShapeDtypeStruct((NB, 1), jnp.int32),
            jax.ShapeDtypeStruct((NB, 1), jnp.int32),
        ),
    )(x, gate_w, bias.reshape(1, E))



def _disp_body(x_hbm, d0_hbm, d1_hbm, xs_hbm, i0_v, i1_v, rows_v, sem):
    wid = lax.axis_index("s") * _NC + lax.axis_index("c")
    base = wid * TPW
    pltpu.sync_copy(d0_hbm.at[pl.ds(base, TPW)], i0_v)
    pltpu.sync_copy(d1_hbm.at[pl.ds(base, TPW)], i1_v)
    pltpu.sync_copy(x_hbm.at[pl.ds(base, TPW)], rows_v)
    c0 = pltpu.async_copy(rows_v, xs_hbm.at[i0_v], sem)
    c1 = pltpu.async_copy(rows_v, xs_hbm.at[i1_v], sem)
    c0.wait()
    c1.wait()


def _dispatch(x, d0, d1):
    mesh = plsc.VectorSubcoreMesh(core_axis_name="c", subcore_axis_name="s")
    return pl.kernel(
        _disp_body,
        out_type=jax.ShapeDtypeStruct((SLOTS, D), jnp.float32),
        mesh=mesh,
        scratch_types=[
            pltpu.VMEM((TPW,), jnp.int32),
            pltpu.VMEM((TPW,), jnp.int32),
            pltpu.VMEM((TPW, D), jnp.float32),
            pltpu.SemaphoreType.DMA,
        ],
    )(x, d0, d1)



def _mlp_body(cnt_ref, bexp_ref, brow_ref, xs_ref, wgu_ref, wd_ref, ys_ref):
    s = pl.program_id(0)
    e = bexp_ref[s]
    b_inner = brow_ref[s] - e * CBS

    @pl.when(b_inner * SB < cnt_ref[e])
    def _():
        gu = _dot_t(xs_ref[...], wgu_ref[0])
        act = jax.nn.silu(gu[:, :I]) * gu[:, I:]
        ys_ref[...] = _dot_t(act, wd_ref[0])


def _grouped_mlp(counts, bexp, brow, xs, w_gate_up, w_down):
    grid_spec = pltpu.PrefetchScalarGridSpec(
        num_scalar_prefetch=3,
        grid=(NB,),
        in_specs=[
            pl.BlockSpec((SB, D), lambda s, c, be, br: (br[s], 0)),
            pl.BlockSpec((1, 2 * I, D), lambda s, c, be, br: (be[s], 0, 0)),
            pl.BlockSpec((1, D, I), lambda s, c, be, br: (be[s], 0, 0)),
        ],
        out_specs=pl.BlockSpec((SB, D), lambda s, c, be, br: (br[s], 0)),
    )
    return pl.pallas_call(
        _mlp_body,
        grid_spec=grid_spec,
        out_shape=jax.ShapeDtypeStruct((SLOTS, D), jnp.float32),
    )(counts, bexp, brow, xs, w_gate_up, w_down)



HW = TPW // 2


def _gath_body(ys_hbm, d0_hbm, d1_hbm, y0_hbm, y1_hbm,
               ia, ib, ic, id_, b0, b1, b2, s0, s1, s2):
    wid = lax.axis_index("s") * _NC + lax.axis_index("c")
    base = wid * TPW
    pltpu.sync_copy(d0_hbm.at[pl.ds(base, HW)], ia)
    pltpu.sync_copy(d0_hbm.at[pl.ds(base + HW, HW)], ib)
    pltpu.sync_copy(d1_hbm.at[pl.ds(base, HW)], ic)
    pltpu.sync_copy(d1_hbm.at[pl.ds(base + HW, HW)], id_)
    c0 = pltpu.async_copy(ys_hbm.at[ia], b0, s0)
    c1 = pltpu.async_copy(ys_hbm.at[ib], b1, s1)
    c0.wait()
    c2 = pltpu.async_copy(ys_hbm.at[ic], b2, s2)
    pltpu.sync_copy(b0, y0_hbm.at[pl.ds(base, HW)])
    c1.wait()
    c3 = pltpu.async_copy(ys_hbm.at[id_], b0, s0)
    pltpu.sync_copy(b1, y0_hbm.at[pl.ds(base + HW, HW)])
    c2.wait()
    pltpu.sync_copy(b2, y1_hbm.at[pl.ds(base, HW)])
    c3.wait()
    pltpu.sync_copy(b0, y1_hbm.at[pl.ds(base + HW, HW)])


def _combine_gather(ys, d0, d1):
    mesh = plsc.VectorSubcoreMesh(core_axis_name="c", subcore_axis_name="s")
    return pl.kernel(
        _gath_body,
        out_type=(
            jax.ShapeDtypeStruct((T, D), jnp.float32),
            jax.ShapeDtypeStruct((T, D), jnp.float32),
        ),
        mesh=mesh,
        scratch_types=[
            pltpu.VMEM((HW,), jnp.int32),
            pltpu.VMEM((HW,), jnp.int32),
            pltpu.VMEM((HW,), jnp.int32),
            pltpu.VMEM((HW,), jnp.int32),
            pltpu.VMEM((HW, D), jnp.float32),
            pltpu.VMEM((HW, D), jnp.float32),
            pltpu.VMEM((HW, D), jnp.float32),
            pltpu.SemaphoreType.DMA,
            pltpu.SemaphoreType.DMA,
            pltpu.SemaphoreType.DMA,
        ],
    )(ys, d0, d1)



def _shared_body(x_ref, sgu_ref, sd_ref, out_ref):
    xb = x_ref[...]
    gu = _dot_t(xb, sgu_ref[...])
    h = I * NSH
    act = jax.nn.silu(gu[:, :h]) * gu[:, h:]
    out_ref[...] = _dot_t(act, sd_ref[...])


def _shared_mlp(x, shared_gate_up, shared_down):
    return pl.pallas_call(
        _shared_body,
        grid=(NT,),
        in_specs=[
            pl.BlockSpec((TB, D), lambda t: (t, 0)),
            pl.BlockSpec((2 * I * NSH, D), lambda t: (0, 0)),
            pl.BlockSpec((D, I * NSH), lambda t: (0, 0)),
        ],
        out_specs=pl.BlockSpec((TB, D), lambda t: (t, 0)),
        out_shape=jax.ShapeDtypeStruct((T, D), jnp.float32),
    )(x, shared_gate_up, shared_down)


def _final_body(y0_ref, y1_ref, w1_ref, w2_ref, sh_ref, out_ref):
    routed = y0_ref[...] * w1_ref[...] + y1_ref[...] * w2_ref[...]
    out_ref[...] = routed * SCALE + sh_ref[...]


def _final_combine(y0, y1, w1, w2, sh):
    return pl.pallas_call(
        _final_body,
        grid=(NT,),
        in_specs=[
            pl.BlockSpec((TB, D), lambda t: (t, 0)),
            pl.BlockSpec((TB, D), lambda t: (t, 0)),
            pl.BlockSpec((TB, 1), lambda t: (t, 0)),
            pl.BlockSpec((TB, 1), lambda t: (t, 0)),
            pl.BlockSpec((TB, D), lambda t: (t, 0)),
        ],
        out_specs=pl.BlockSpec((TB, D), lambda t: (t, 0)),
        out_shape=jax.ShapeDtypeStruct((T, D), jnp.float32),
    )(y0, y1, w1, w2, sh)


def kernel(hidden_states, gate_w, e_score_correction_bias, w_gate_up, w_down,
           shared_gate_up, shared_down):
    x = hidden_states
    d0, d1, w1, w2, counts, bexp, brow = _router(
        x, gate_w, e_score_correction_bias)
    xs = _dispatch(x, d0.reshape(T), d1.reshape(T))
    sh = _shared_mlp(x, shared_gate_up, shared_down)
    ys = _grouped_mlp(counts.reshape(E), bexp.reshape(NB), brow.reshape(NB),
                      xs, w_gate_up, w_down)
    y0, y1 = _combine_gather(ys, d0.reshape(T), d1.reshape(T))
    return _final_combine(y0, y1, w1, w2, sh)

# --- scband reference (transcript-rebuilt; emitter-appended) ---
"""Pipeline reference for scband-deepseek-v4-mo-e-74783970558179 (READ-ONLY COPY).

The authoritative reference and input builder live on the scoring server;
editing this copy changes nothing except your own understanding.
"""

import jax, jax.numpy as jnp
import numpy as np

T = 2048
D = 1024
E = 8
TOPK = 2
NGROUP = 4
TOPKG = 2
I = 512
NSH = 2
SCALE = 1.5


def setup_inputs(seed: int = 0) -> dict:
    key = jax.random.key(seed)
    ks = jax.random.split(key, 7)
    hidden_states = jax.random.normal(ks[0], (T, D), dtype=jnp.float32)
    gate_w = jax.random.normal(ks[1], (E, D), dtype=jnp.float32) / np.sqrt(D)
    e_score_correction_bias = jnp.zeros((E,), dtype=jnp.float32)
    w_gate_up = jax.random.normal(ks[2], (E, 2 * I, D), dtype=jnp.float32) * 0.02
    w_down = jax.random.normal(ks[3], (E, D, I), dtype=jnp.float32) * 0.02
    shared_gate_up = jax.random.normal(ks[4], (2 * I * NSH, D), dtype=jnp.float32) * 0.02
    shared_down = jax.random.normal(ks[5], (D, I * NSH), dtype=jnp.float32) * 0.02
    return {
        'hidden_states': hidden_states,
        'gate_w': gate_w,
        'e_score_correction_bias': e_score_correction_bias,
        'w_gate_up': w_gate_up,
        'w_down': w_down,
        'shared_gate_up': shared_gate_up,
        'shared_down': shared_down,
    }


def _expert_mlp(x, wgu, wd):
    # gate_up_proj -> SiluAndMul -> down_proj
    gu = x @ wgu.T
    g, u = jnp.split(gu, 2, axis=-1)
    return (jax.nn.silu(g) * u) @ wd.T


def _grouped_topk(scores, bias):
    Tn, En = scores.shape
    sc = scores + bias[None, :]
    gs = sc.reshape(Tn, NGROUP, En // NGROUP)
    # group score = sum of top-2 per group (DeepSeek grouped routing)
    gvals = jax.lax.top_k(gs, 2)[0].sum(-1)
    _, gidx = jax.lax.top_k(gvals, TOPKG)
    gmask = jnp.zeros((Tn, NGROUP), dtype=scores.dtype).at[jnp.arange(Tn)[:, None], gidx].set(1.0)
    emask = jnp.repeat(gmask, En // NGROUP, axis=1)
    masked = jnp.where(emask > 0, sc, -jnp.inf)
    _, tidx = jax.lax.top_k(masked, TOPK)
    w = jnp.take_along_axis(scores, tidx, axis=1)
    # renormalize (norm_topk_prob=True)
    w = w / jnp.sum(w, axis=-1, keepdims=True)
    return w, tidx


def reference(hidden_states, gate_w, e_score_correction_bias, w_gate_up, w_down, shared_gate_up, shared_down):
    x = hidden_states
    # router: ReplicatedLinear gate in fp32
    logits = x.astype(jnp.float32) @ gate_w.T
    scores = jax.nn.softmax(logits, axis=-1)
    topk_w, topk_idx = _grouped_topk(scores, e_score_correction_bias)
    # routed experts (dense compute, gathered by combine weights)
    expert_outs = jax.vmap(lambda wgu, wd: _expert_mlp(x, wgu, wd))(w_gate_up, w_down)  # [E, T, D]
    onehot = (topk_idx[:, :, None] == jnp.arange(E)[None, None, :]).astype(x.dtype)  # [T, K, E]
    combine = jnp.einsum('tk,tke->te', topk_w.astype(x.dtype), onehot)  # [T, E]
    routed = jnp.einsum('te,etd->td', combine, expert_outs)
    # shared experts MLP (reduce_results=False path)
    shared = _expert_mlp(x, shared_gate_up, shared_down)
    # non-fp16 path: final = routed * routed_scaling_factor + shared
    final = routed * SCALE + shared
    return final

if __name__ == "__main__":
    import jax
    _d = setup_inputs()
    print(jax.jit(kernel)(*tuple(_d.values())))

</pallas_src>

<mosaic_0001>
#map = affine_map<(d0, d1) -> (0, 0)>
#map1 = affine_map<(d0, d1) -> (0)>
module attributes {stable_mosaic.version = 14 : i64} {
  func.func @_disp_body(%arg0: i32, %arg1: i32, %arg2: memref<2048x1024xf32, #tpu.memory_space<hbm>>, %arg3: memref<2048xi32, #tpu.memory_space<hbm>>, %arg4: memref<2048xi32, #tpu.memory_space<hbm>>, %arg5: memref<16384x1024xf32, #tpu.memory_space<hbm>>, %arg6: memref<64xi32, #tpu.memory_space<vmem>>, %arg7: memref<64xi32, #tpu.memory_space<vmem>>, %arg8: memref<64x1024xf32, #tpu.memory_space<vmem>>, %arg9: memref<!tpu.dma_semaphore, #tpu.memory_space<semaphore_mem>>) attributes {dimension_semantics = [#tpu.dimension_semantics<core_parallel>, #tpu.dimension_semantics<subcore_parallel>], iteration_bounds = array<i64: 2, 16>, scalar_prefetch = 0 : i64, scratch_operands = 4 : i64, tpu.core_type = #tpu.core_type<sc_vector_subcore>, window_params = [{transform_indices = #map}, {transform_indices = #map1}, {transform_indices = #map1}, {transform_indices = #map}]} {
    %mul3A = arith.constant 2 : i32
    %mul3A_0 = arith.muli %arg1, %mul3A : i32
    %add3A = arith.addi %mul3A_0, %arg0 : i32
    %mul3A_1 = arith.constant 64 : i32
    %mul3A_2 = arith.muli %add3A, %mul3A_1 : i32
    "tpu.region"() ({
      %run_scoped3A = tpu.sem_alloc : memref<!tpu.dma_semaphore, #tpu.memory_space<semaphore_mem>>
      %dma_start3A_13 = tpu.memref_slice %arg3[%mul3A_2] : memref<2048xi32, #tpu.memory_space<hbm>> -> memref<64xi32, #tpu.memory_space<hbm>>
      %dma_start3A_14 = tpu.memref_slice %arg3[%mul3A_2] : memref<2048xi32, #tpu.memory_space<hbm>> -> memref<64xi32, #tpu.memory_space<hbm>>
      tpu.enqueue_dma source(%dma_start3A_14 : memref<64xi32, #tpu.memory_space<hbm>>) target(%arg6 : memref<64xi32, #tpu.memory_space<vmem>>) target_semaphore(%run_scoped3A : memref<!tpu.dma_semaphore, #tpu.memory_space<semaphore_mem>>)
      %dma_wait3A_15 = tpu.memref_slice %arg3[%mul3A_2] : memref<2048xi32, #tpu.memory_space<hbm>> -> memref<64xi32, #tpu.memory_space<hbm>>
      %dma_wait3A_16 = tpu.memref_slice %arg3[%mul3A_2] : memref<2048xi32, #tpu.memory_space<hbm>> -> memref<64xi32, #tpu.memory_space<hbm>>
      tpu.wait_dma2 semaphore(%run_scoped3A : memref<!tpu.dma_semaphore, #tpu.memory_space<semaphore_mem>>) src(%dma_wait3A_16 : memref<64xi32, #tpu.memory_space<hbm>>) dst(%arg6 : memref<64xi32, #tpu.memory_space<vmem>>)
      tpu.yield
    }) : () -> ()
    "tpu.region"() ({
      %run_scoped3A = tpu.sem_alloc : memref<!tpu.dma_semaphore, #tpu.memory_space<semaphore_mem>>
      %dma_start3A_13 = tpu.memref_slice %arg4[%mul3A_2] : memref<2048xi32, #tpu.memory_space<hbm>> -> memref<64xi32, #tpu.memory_space<hbm>>
      %dma_start3A_14 = tpu.memref_slice %arg4[%mul3A_2] : memref<2048xi32, #tpu.memory_space<hbm>> -> memref<64xi32, #tpu.memory_space<hbm>>
      tpu.enqueue_dma source(%dma_start3A_14 : memref<64xi32, #tpu.memory_space<hbm>>) target(%arg7 : memref<64xi32, #tpu.memory_space<vmem>>) target_semaphore(%run_scoped3A : memref<!tpu.dma_semaphore, #tpu.memory_space<semaphore_mem>>)
      %dma_wait3A_15 = tpu.memref_slice %arg4[%mul3A_2] : memref<2048xi32, #tpu.memory_space<hbm>> -> memref<64xi32, #tpu.memory_space<hbm>>
      %dma_wait3A_16 = tpu.memref_slice %arg4[%mul3A_2] : memref<2048xi32, #tpu.memory_space<hbm>> -> memref<64xi32, #tpu.memory_space<hbm>>
      tpu.wait_dma2 semaphore(%run_scoped3A : memref<!tpu.dma_semaphore, #tpu.memory_space<semaphore_mem>>) src(%dma_wait3A_16 : memref<64xi32, #tpu.memory_space<hbm>>) dst(%arg7 : memref<64xi32, #tpu.memory_space<vmem>>)
      tpu.yield
    }) : () -> ()
    "tpu.region"() ({
      %run_scoped3A = tpu.sem_alloc : memref<!tpu.dma_semaphore, #tpu.memory_space<semaphore_mem>>
      %dma_start3A_13 = arith.constant 0 : i32
      %dma_start3A_14 = tpu.memref_slice %arg2[%mul3A_2, %dma_start3A_13] : memref<2048x1024xf32, #tpu.memory_space<hbm>> -> memref<64x1024xf32, #tpu.memory_space<hbm>>
      %dma_start3A_15 = arith.constant 0 : i32
      %dma_start3A_16 = tpu.memref_slice %arg2[%mul3A_2, %dma_start3A_15] : memref<2048x1024xf32, #tpu.memory_space<hbm>> -> memref<64x1024xf32, #tpu.memory_space<hbm>>
      tpu.enqueue_dma source(%dma_start3A_16 : memref<64x1024xf32, #tpu.memory_space<hbm>>) target(%arg8 : memref<64x1024xf32, #tpu.memory_space<vmem>>) target_semaphore(%run_scoped3A : memref<!tpu.dma_semaphore, #tpu.memory_space<semaphore_mem>>)
      %dma_wait3A_17 = arith.constant 0 : i32
      %dma_wait3A_18 = tpu.memref_slice %arg2[%mul3A_2, %dma_wait3A_17] : memref<2048x1024xf32, #tpu.memory_space<hbm>> -> memref<64x1024xf32, #tpu.memory_space<hbm>>
      %dma_wait3A_19 = arith.constant 0 : i32
      %dma_wait3A_20 = tpu.memref_slice %arg2[%mul3A_2, %dma_wait3A_19] : memref<2048x1024xf32, #tpu.memory_space<hbm>> -> memref<64x1024xf32, #tpu.memory_space<hbm>>
      tpu.wait_dma2 semaphore(%run_scoped3A : memref<!tpu.dma_semaphore, #tpu.memory_space<semaphore_mem>>) src(%dma_wait3A_20 : memref<64x1024xf32, #tpu.memory_space<hbm>>) dst(%arg8 : memref<64x1024xf32, #tpu.memory_space<vmem>>)
      tpu.yield
    }) : () -> ()
    %dma_start3A = arith.constant 0 : i32
    %dma_start3A_3 = arith.constant 0 : i32
    %dma_start3A_4 = tpu.memref_slice %arg5[%dma_start3A, %dma_start3A_3] : memref<16384x1024xf32, #tpu.memory_space<hbm>> -> memref<16384x1024xf32, #tpu.memory_space<hbm>>
    tpu.enqueue_indirect_dma source(%arg8 : memref<64x1024xf32, #tpu.memory_space<vmem>>) target(%dma_start3A_4 : memref<16384x1024xf32, #tpu.memory_space<hbm>>) offsets(%arg6 : memref<64xi32, #tpu.memory_space<vmem>>) semaphore(%arg9 : memref<!tpu.dma_semaphore, #tpu.memory_space<semaphore_mem>>)
    %dma_start3A_5 = arith.constant 0 : i32
    %dma_start3A_6 = arith.constant 0 : i32
    %dma_start3A_7 = tpu.memref_slice %arg5[%dma_start3A_5, %dma_start3A_6] : memref<16384x1024xf32, #tpu.memory_space<hbm>> -> memref<16384x1024xf32, #tpu.memory_space<hbm>>
    tpu.enqueue_indirect_dma source(%arg8 : memref<64x1024xf32, #tpu.memory_space<vmem>>) target(%dma_start3A_7 : memref<16384x1024xf32, #tpu.memory_space<hbm>>) offsets(%arg7 : memref<64xi32, #tpu.memory_space<vmem>>) semaphore(%arg9 : memref<!tpu.dma_semaphore, #tpu.memory_space<semaphore_mem>>)
    %dma_wait3A = arith.constant 0 : i32
    %dma_wait3A_8 = arith.constant 0 : i32
    %dma_wait3A_9 = tpu.memref_slice %arg5[%dma_wait3A, %dma_wait3A_8] : memref<16384x1024xf32, #tpu.memory_space<hbm>> -> memref<16384x1024xf32, #tpu.memory_space<hbm>>
    tpu.wait_indirect_dma semaphore(%arg9 : memref<!tpu.dma_semaphore, #tpu.memory_space<semaphore_mem>>) src(%arg8 : memref<64x1024xf32, #tpu.memory_space<vmem>>) dst(%dma_wait3A_9 : memref<16384x1024xf32, #tpu.memory_space<hbm>>)
    %dma_wait3A_10 = arith.constant 0 : i32
    %dma_wait3A_11 = arith.constant 0 : i32
    %dma_wait3A_12 = tpu.memref_slice %arg5[%dma_wait3A_10, %dma_wait3A_11] : memref<16384x1024xf32, #tpu.memory_space<hbm>> -> memref<16384x1024xf32, #tpu.memory_space<hbm>>
    tpu.wait_indirect_dma semaphore(%arg9 : memref<!tpu.dma_semaphore, #tpu.memory_space<semaphore_mem>>) src(%arg8 : memref<64x1024xf32, #tpu.memory_space<vmem>>) dst(%dma_wait3A_12 : memref<16384x1024xf32, #tpu.memory_space<hbm>>)
    return
  }
}

#map = affine_map<(d0, d1) -> (0, 0)>
#map1 = affine_map<(d0, d1) -> (0)>
module attributes {stable_mosaic.version = 14 : i64} {
  func.func @_gath_body(%arg0: i32, %arg1: i32, %arg2: memref<16384x1024xf32, #tpu.memory_space<hbm>>, %arg3: memref<2048xi32, #tpu.memory_space<hbm>>, %arg4: memref<2048xi32, #tpu.memory_space<hbm>>, %arg5: memref<2048x1024xf32, #tpu.memory_space<hbm>>, %arg6: memref<2048x1024xf32, #tpu.memory_space<hbm>>, %arg7: memref<32xi32, #tpu.memory_space<vmem>>, %arg8: memref<32xi32, #tpu.memory_space<vmem>>, %arg9: memref<32xi32, #tpu.memory_space<vmem>>, %arg10: memref<32xi32, #tpu.memory_space<vmem>>, %arg11: memref<32x1024xf32, #tpu.memory_space<vmem>>, %arg12: memref<32x1024xf32, #tpu.memory_space<vmem>>, %arg13: memref<32x1024xf32, #tpu.memory_space<vmem>>, %arg14: memref<!tpu.dma_semaphore, #tpu.memory_space<semaphore_mem>>, %arg15: memref<!tpu.dma_semaphore, #tpu.memory_space<semaphore_mem>>, %arg16: memref<!tpu.dma_semaphore, #tpu.memory_space<semaphore_mem>>) attributes {dimension_semantics = [#tpu.dimension_semantics<core_parallel>, #tpu.dimension_semantics<subcore_parallel>], iteration_bounds = array<i64: 2, 16>, scalar_prefetch = 0 : i64, scratch_operands = 10 : i64, tpu.core_type = #tpu.core_type<sc_vector_subcore>, window_params = [{transform_indices = #map}, {transform_indices = #map1}, {transform_indices = #map1}, {transform_indices = #map}, {transform_indices = #map}]} {
    %mul3A = arith.constant 2 : i32
    %mul3A_0 = arith.muli %arg1, %mul3A : i32
    %add3A = arith.addi %mul3A_0, %arg0 : i32
    %mul3A_1 = arith.constant 64 : i32
    %mul3A_2 = arith.muli %add3A, %mul3A_1 : i32
    "tpu.region"() ({
      %run_scoped3A = tpu.sem_alloc : memref<!tpu.dma_semaphore, #tpu.memory_space<semaphore_mem>>
      %dma_start3A_33 = tpu.memref_slice %arg3[%mul3A_2] : memref<2048xi32, #tpu.memory_space<hbm>> -> memref<32xi32, #tpu.memory_space<hbm>>
      %dma_start3A_34 = tpu.memref_slice %arg3[%mul3A_2] : memref<2048xi32, #tpu.memory_space<hbm>> -> memref<32xi32, #tpu.memory_space<hbm>>
      tpu.enqueue_dma source(%dma_start3A_34 : memref<32xi32, #tpu.memory_space<hbm>>) target(%arg7 : memref<32xi32, #tpu.memory_space<vmem>>) target_semaphore(%run_scoped3A : memref<!tpu.dma_semaphore, #tpu.memory_space<semaphore_mem>>)
      %dma_wait3A_35 = tpu.memref_slice %arg3[%mul3A_2] : memref<2048xi32, #tpu.memory_space<hbm>> -> memref<32xi32, #tpu.memory_space<hbm>>
      %dma_wait3A_36 = tpu.memref_slice %arg3[%mul3A_2] : memref<2048xi32, #tpu.memory_space<hbm>> -> memref<32xi32, #tpu.memory_space<hbm>>
      tpu.wait_dma2 semaphore(%run_scoped3A : memref<!tpu.dma_semaphore, #tpu.memory_space<semaphore_mem>>) src(%dma_wait3A_36 : memref<32xi32, #tpu.memory_space<hbm>>) dst(%arg7 : memref<32xi32, #tpu.memory_space<vmem>>)
      tpu.yield
    }) : () -> ()
    %add3A_3 = arith.constant 32 : i32
    %add3A_4 = arith.addi %mul3A_2, %add3A_3 : i32
    "tpu.region"() ({
      %run_scoped3A = tpu.sem_alloc : memref<!tpu.dma_semaphore, #tpu.memory_space<semaphore_mem>>
      %dma_start3A_33 = tpu.memref_slice %arg3[%add3A_4] : memref<2048xi32, #tpu.memory_space<hbm>> -> memref<32xi32, #tpu.memory_space<hbm>>
      %dma_start3A_34 = tpu.memref_slice %arg3[%add3A_4] : memref<2048xi32, #tpu.memory_space<hbm>> -> memref<32xi32, #tpu.memory_space<hbm>>
      tpu.enqueue_dma source(%dma_start3A_34 : memref<32xi32, #tpu.memory_space<hbm>>) target(%arg8 : memref<32xi32, #tpu.memory_space<vmem>>) target_semaphore(%run_scoped3A : memref<!tpu.dma_semaphore, #tpu.memory_space<semaphore_mem>>)
      %dma_wait3A_35 = tpu.memref_slice %arg3[%add3A_4] : memref<2048xi32, #tpu.memory_space<hbm>> -> memref<32xi32, #tpu.memory_space<hbm>>
      %dma_wait3A_36 = tpu.memref_slice %arg3[%add3A_4] : memref<2048xi32, #tpu.memory_space<hbm>> -> memref<32xi32, #tpu.memory_space<hbm>>
      tpu.wait_dma2 semaphore(%run_scoped3A : memref<!tpu.dma_semaphore, #tpu.memory_space<semaphore_mem>>) src(%dma_wait3A_36 : memref<32xi32, #tpu.memory_space<hbm>>) dst(%arg8 : memref<32xi32, #tpu.memory_space<vmem>>)
      tpu.yield
    }) : () -> ()
    "tpu.region"() ({
      %run_scoped3A = tpu.sem_alloc : memref<!tpu.dma_semaphore, #tpu.memory_space<semaphore_mem>>
      %dma_start3A_33 = tpu.memref_slice %arg4[%mul3A_2] : memref<2048xi32, #tpu.memory_space<hbm>> -> memref<32xi32, #tpu.memory_space<hbm>>
      %dma_start3A_34 = tpu.memref_slice %arg4[%mul3A_2] : memref<2048xi32, #tpu.memory_space<hbm>> -> memref<32xi32, #tpu.memory_space<hbm>>
      tpu.enqueue_dma source(%dma_start3A_34 : memref<32xi32, #tpu.memory_space<hbm>>) target(%arg9 : memref<32xi32, #tpu.memory_space<vmem>>) target_semaphore(%run_scoped3A : memref<!tpu.dma_semaphore, #tpu.memory_space<semaphore_mem>>)
      %dma_wait3A_35 = tpu.memref_slice %arg4[%mul3A_2] : memref<2048xi32, #tpu.memory_space<hbm>> -> memref<32xi32, #tpu.memory_space<hbm>>
      %dma_wait3A_36 = tpu.memref_slice %arg4[%mul3A_2] : memref<2048xi32, #tpu.memory_space<hbm>> -> memref<32xi32, #tpu.memory_space<hbm>>
      tpu.wait_dma2 semaphore(%run_scoped3A : memref<!tpu.dma_semaphore, #tpu.memory_space<semaphore_mem>>) src(%dma_wait3A_36 : memref<32xi32, #tpu.memory_space<hbm>>) dst(%arg9 : memref<32xi32, #tpu.memory_space<vmem>>)
      tpu.yield
    }) : () -> ()
    %add3A_5 = arith.constant 32 : i32
    %add3A_6 = arith.addi %mul3A_2, %add3A_5 : i32
    "tpu.region"() ({
      %run_scoped3A = tpu.sem_alloc : memref<!tpu.dma_semaphore, #tpu.memory_space<semaphore_mem>>
      %dma_start3A_33 = tpu.memref_slice %arg4[%add3A_6] : memref<2048xi32, #tpu.memory_space<hbm>> -> memref<32xi32, #tpu.memory_space<hbm>>
      %dma_start3A_34 = tpu.memref_slice %arg4[%add3A_6] : memref<2048xi32, #tpu.memory_space<hbm>> -> memref<32xi32, #tpu.memory_space<hbm>>
      tpu.enqueue_dma source(%dma_start3A_34 : memref<32xi32, #tpu.memory_space<hbm>>) target(%arg10 : memref<32xi32, #tpu.memory_space<vmem>>) target_semaphore(%run_scoped3A : memref<!tpu.dma_semaphore, #tpu.memory_space<semaphore_mem>>)
      %dma_wait3A_35 = tpu.memref_slice %arg4[%add3A_6] : memref<2048xi32, #tpu.memory_space<hbm>> -> memref<32xi32, #tpu.memory_space<hbm>>
      %dma_wait3A_36 = tpu.memref_slice %arg4[%add3A_6] : memref<2048xi32, #tpu.memory_space<hbm>> -> memref<32xi32, #tpu.memory_space<hbm>>
      tpu.wait_dma2 semaphore(%run_scoped3A : memref<!tpu.dma_semaphore, #tpu.memory_space<semaphore_mem>>) src(%dma_wait3A_36 : memref<32xi32, #tpu.memory_space<hbm>>) dst(%arg10 : memref<32xi32, #tpu.memory_space<vmem>>)
      tpu.yield
    }) : () -> ()
    %dma_start3A = arith.constant 0 : i32
    %dma_start3A_7 = arith.constant 0 : i32
    %dma_start3A_8 = tpu.memref_slice %arg2[%dma_start3A, %dma_start3A_7] : memref<16384x1024xf32, #tpu.memory_space<hbm>> -> memref<16384x1024xf32, #tpu.memory_space<hbm>>
    tpu.enqueue_indirect_dma source(%dma_start3A_8 : memref<16384x1024xf32, #tpu.memory_space<hbm>>) target(%arg11 : memref<32x1024xf32, #tpu.memory_space<vmem>>) offsets(%arg7 : memref<32xi32, #tpu.memory_space<vmem>>) semaphore(%arg14 : memref<!tpu.dma_semaphore, #tpu.memory_space<semaphore_mem>>)
    %dma_start3A_9 = arith.constant 0 : i32
    %dma_start3A_10 = arith.constant 0 : i32
    %dma_start3A_11 = tpu.memref_slice %arg2[%dma_start3A_9, %dma_start3A_10] : memref<16384x1024xf32, #tpu.memory_space<hbm>> -> memref<16384x1024xf32, #tpu.memory_space<hbm>>
    tpu.enqueue_indirect_dma source(%dma_start3A_11 : memref<16384x1024xf32, #tpu.memory_space<hbm>>) target(%arg12 : memref<32x1024xf32, #tpu.memory_space<vmem>>) offsets(%arg8 : memref<32xi32, #tpu.memory_space<vmem>>) semaphore(%arg15 : memref<!tpu.dma_semaphore, #tpu.memory_space<semaphore_mem>>)
    %dma_wait3A = arith.constant 0 : i32
    %dma_wait3A_12 = arith.constant 0 : i32
    %dma_wait3A_13 = tpu.memref_slice %arg2[%dma_wait3A, %dma_wait3A_12] : memref<16384x1024xf32, #tpu.memory_space<hbm>> -> memref<16384x1024xf32, #tpu.memory_space<hbm>>
    tpu.wait_indirect_dma semaphore(%arg14 : memref<!tpu.dma_semaphore, #tpu.memory_space<semaphore_mem>>) src(%dma_wait3A_13 : memref<16384x1024xf32, #tpu.memory_space<hbm>>) dst(%arg11 : memref<32x1024xf32, #tpu.memory_space<vmem>>)
    %dma_start3A_14 = arith.constant 0 : i32
    %dma_start3A_15 = arith.constant 0 : i32
    %dma_start3A_16 = tpu.memref_slice %arg2[%dma_start3A_14, %dma_start3A_15] : memref<16384x1024xf32, #tpu.memory_space<hbm>> -> memref<16384x1024xf32, #tpu.memory_space<hbm>>
    tpu.enqueue_indirect_dma source(%dma_start3A_16 : memref<16384x1024xf32, #tpu.memory_space<hbm>>) target(%arg13 : memref<32x1024xf32, #tpu.memory_space<vmem>>) offsets(%arg9 : memref<32xi32, #tpu.memory_space<vmem>>) semaphore(%arg16 : memref<!tpu.dma_semaphore, #tpu.memory_space<semaphore_mem>>)
    "tpu.region"() ({
      %run_scoped3A = tpu.sem_alloc : memref<!tpu.dma_semaphore, #tpu.memory_space<semaphore_mem>>
      %dma_start3A_33 = arith.constant 0 : i32
      %dma_start3A_34 = tpu.memref_slice %arg5[%mul3A_2, %dma_start3A_33] : memref<2048x1024xf32, #tpu.memory_space<hbm>> -> memref<32x1024xf32, #tpu.memory_space<hbm>>
      %dma_start3A_35 = arith.constant 0 : i32
      %dma_start3A_36 = tpu.memref_slice %arg5[%mul3A_2, %dma_start3A_35] : memref<2048x1024xf32, #tpu.memory_space<hbm>> -> memref<32x1024xf32, #tpu.memory_space<hbm>>
      tpu.enqueue_dma source(%arg11 : memref<32x1024xf32, #tpu.memory_space<vmem>>) target(%dma_start3A_36 : memref<32x1024xf32, #tpu.memory_space<hbm>>) target_semaphore(%run_scoped3A : memref<!tpu.dma_semaphore, #tpu.memory_space<semaphore_mem>>)
      %dma_wait3A_37 = arith.constant 0 : i32
      %dma_wait3A_38 = tpu.memref_slice %arg5[%mul3A_2, %dma_wait3A_37] : memref<2048x1024xf32, #tpu.memory_space<hbm>> -> memref<32x1024xf32, #tpu.memory_space<hbm>>
      %dma_wait3A_39 = arith.constant 0 : i32
      %dma_wait3A_40 = tpu.memref_slice %arg5[%mul3A_2, %dma_wait3A_39] : memref<2048x1024xf32, #tpu.memory_space<hbm>> -> memref<32x1024xf32, #tpu.memory_space<hbm>>
      tpu.wait_dma2 semaphore(%run_scoped3A : memref<!tpu.dma_semaphore, #tpu.memory_space<semaphore_mem>>) src(%arg11 : memref<32x1024xf32, #tpu.memory_space<vmem>>) dst(%dma_wait3A_40 : memref<32x1024xf32, #tpu.memory_space<hbm>>)
      tpu.yield
    }) : () -> ()
    %dma_wait3A_17 = arith.constant 0 : i32
    %dma_wait3A_18 = arith.constant 0 : i32
    %dma_wait3A_19 = tpu.memref_slice %arg2[%dma_wait3A_17, %dma_wait3A_18] : memref<16384x1024xf32, #tpu.memory_space<hbm>> -> memref<16384x1024xf32, #tpu.memory_space<hbm>>
    tpu.wait_indirect_dma semaphore(%arg15 : memref<!tpu.dma_semaphore, #tpu.memory_space<semaphore_mem>>) src(%dma_wait3A_19 : memref<16384x1024xf32, #tpu.memory_space<hbm>>) dst(%arg12 : memref<32x1024xf32, #tpu.memory_space<vmem>>)
    %dma_start3A_20 = arith.constant 0 : i32
    %dma_start3A_21 = arith.constant 0 : i32
    %dma_start3A_22 = tpu.memref_slice %arg2[%dma_start3A_20, %dma_start3A_21] : memref<16384x1024xf32, #tpu.memory_space<hbm>> -> memref<16384x1024xf32, #tpu.memory_space<hbm>>
    tpu.enqueue_indirect_dma source(%dma_start3A_22 : memref<16384x1024xf32, #tpu.memory_space<hbm>>) target(%arg11 : memref<32x1024xf32, #tpu.memory_space<vmem>>) offsets(%arg10 : memref<32xi32, #tpu.memory_space<vmem>>) semaphore(%arg14 : memref<!tpu.dma_semaphore, #tpu.memory_space<semaphore_mem>>)
    %add3A_23 = arith.constant 32 : i32
    %add3A_24 = arith.addi %mul3A_2, %add3A_23 : i32
    "tpu.region"() ({
      %run_scoped3A = tpu.sem_alloc : memref<!tpu.dma_semaphore, #tpu.memory_space<semaphore_mem>>
      %dma_start3A_33 = arith.constant 0 : i32
      %dma_start3A_34 = tpu.memref_slice %arg5[%add3A_24, %dma_start3A_33] : memref<2048x1024xf32, #tpu.memory_space<hbm>> -> memref<32x1024xf32, #tpu.memory_space<hbm>>
      %dma_start3A_35 = arith.constant 0 : i32
      %dma_start3A_36 = tpu.memref_slice %arg5[%add3A_24, %dma_start3A_35] : memref<2048x1024xf32, #tpu.memory_space<hbm>> -> memref<32x1024xf32, #tpu.memory_space<hbm>>
      tpu.enqueue_dma source(%arg12 : memref<32x1024xf32, #tpu.memory_space<vmem>>) target(%dma_start3A_36 : memref<32x1024xf32, #tpu.memory_space<hbm>>) target_semaphore(%run_scoped3A : memref<!tpu.dma_semaphore, #tpu.memory_space<semaphore_mem>>)
      %dma_wait3A_37 = arith.constant 0 : i32
      %dma_wait3A_38 = tpu.memref_slice %arg5[%add3A_24, %dma_wait3A_37] : memref<2048x1024xf32, #tpu.memory_space<hbm>> -> memref<32x1024xf32, #tpu.memory_space<hbm>>
      %dma_wait3A_39 = arith.constant 0 : i32
      %dma_wait3A_40 = tpu.memref_slice %arg5[%add3A_24, %dma_wait3A_39] : memref<2048x1024xf32, #tpu.memory_space<hbm>> -> memref<32x1024xf32, #tpu.memory_space<hbm>>
      tpu.wait_dma2 semaphore(%run_scoped3A : memref<!tpu.dma_semaphore, #tpu.memory_space<semaphore_mem>>) src(%arg12 : memref<32x1024xf32, #tpu.memory_space<vmem>>) dst(%dma_wait3A_40 : memref<32x1024xf32, #tpu.memory_space<hbm>>)
      tpu.yield
    }) : () -> ()
    %dma_wait3A_25 = arith.constant 0 : i32
    %dma_wait3A_26 = arith.constant 0 : i32
    %dma_wait3A_27 = tpu.memref_slice %arg2[%dma_wait3A_25, %dma_wait3A_26] : memref<16384x1024xf32, #tpu.memory_space<hbm>> -> memref<16384x1024xf32, #tpu.memory_space<hbm>>
    tpu.wait_indirect_dma semaphore(%arg16 : memref<!tpu.dma_semaphore, #tpu.memory_space<semaphore_mem>>) src(%dma_wait3A_27 : memref<16384x1024xf32, #tpu.memory_space<hbm>>) dst(%arg13 : memref<32x1024xf32, #tpu.memory_space<vmem>>)
    "tpu.region"() ({
      %run_scoped3A = tpu.sem_alloc : memref<!tpu.dma_semaphore, #tpu.memory_space<semaphore_mem>>
      %dma_start3A_33 = arith.constant 0 : i32
      %dma_start3A_34 = tpu.memref_slice %arg6[%mul3A_2, %dma_start3A_33] : memref<2048x1024xf32, #tpu.memory_space<hbm>> -> memref<32x1024xf32, #tpu.memory_space<hbm>>
      %dma_start3A_35 = arith.constant 0 : i32
      %dma_start3A_36 = tpu.memref_slice %arg6[%mul3A_2, %dma_start3A_35] : memref<2048x1024xf32, #tpu.memory_space<hbm>> -> memref<32x1024xf32, #tpu.memory_space<hbm>>
      tpu.enqueue_dma source(%arg13 : memref<32x1024xf32, #tpu.memory_space<vmem>>) target(%dma_start3A_36 : memref<32x1024xf32, #tpu.memory_space<hbm>>) target_semaphore(%run_scoped3A : memref<!tpu.dma_semaphore, #tpu.memory_space<semaphore_mem>>)
      %dma_wait3A_37 = arith.constant 0 : i32
      %dma_wait3A_38 = tpu.memref_slice %arg6[%mul3A_2, %dma_wait3A_37] : memref<2048x1024xf32, #tpu.memory_space<hbm>> -> memref<32x1024xf32, #tpu.memory_space<hbm>>
      %dma_wait3A_39 = arith.constant 0 : i32
      %dma_wait3A_40 = tpu.memref_slice %arg6[%mul3A_2, %dma_wait3A_39] : memref<2048x1024xf32, #tpu.memory_space<hbm>> -> memref<32x1024xf32, #tpu.memory_space<hbm>>
      tpu.wait_dma2 semaphore(%run_scoped3A : memref<!tpu.dma_semaphore, #tpu.memory_space<semaphore_mem>>) src(%arg13 : memref<32x1024xf32, #tpu.memory_space<vmem>>) dst(%dma_wait3A_40 : memref<32x1024xf32, #tpu.memory_space<hbm>>)
      tpu.yield
    }) : () -> ()
    %dma_wait3A_28 = arith.constant 0 : i32
    %dma_wait3A_29 = arith.constant 0 : i32
    %dma_wait3A_30 = tpu.memref_slice %arg2[%dma_wait3A_28, %dma_wait3A_29] : memref<16384x1024xf32, #tpu.memory_space<hbm>> -> memref<16384x1024xf32, #tpu.memory_space<hbm>>
    tpu.wait_indirect_dma semaphore(%arg14 : memref<!tpu.dma_semaphore, #tpu.memory_space<semaphore_mem>>) src(%dma_wait3A_30 : memref<16384x1024xf32, #tpu.memory_space<hbm>>) dst(%arg11 : memref<32x1024xf32, #tpu.memory_space<vmem>>)
    %add3A_31 = arith.constant 32 : i32
    %add3A_32 = arith.addi %mul3A_2, %add3A_31 : i32
    "tpu.region"() ({
      %run_scoped3A = tpu.sem_alloc : memref<!tpu.dma_semaphore, #tpu.memory_space<semaphore_mem>>
      %dma_start3A_33 = arith.constant 0 : i32
      %dma_start3A_34 = tpu.memref_slice %arg6[%add3A_32, %dma_start3A_33] : memref<2048x1024xf32, #tpu.memory_space<hbm>> -> memref<32x1024xf32, #tpu.memory_space<hbm>>
      %dma_start3A_35 = arith.constant 0 : i32
      %dma_start3A_36 = tpu.memref_slice %arg6[%add3A_32, %dma_start3A_35] : memref<2048x1024xf32, #tpu.memory_space<hbm>> -> memref<32x1024xf32, #tpu.memory_space<hbm>>
      tpu.enqueue_dma source(%arg11 : memref<32x1024xf32, #tpu.memory_space<vmem>>) target(%dma_start3A_36 : memref<32x1024xf32, #tpu.memory_space<hbm>>) target_semaphore(%run_scoped3A : memref<!tpu.dma_semaphore, #tpu.memory_space<semaphore_mem>>)
      %dma_wait3A_37 = arith.constant 0 : i32
      %dma_wait3A_38 = tpu.memref_slice %arg6[%add3A_32, %dma_wait3A_37] : memref<2048x1024xf32, #tpu.memory_space<hbm>> -> memref<32x1024xf32, #tpu.memory_space<hbm>>
      %dma_wait3A_39 = arith.constant 0 : i32
      %dma_wait3A_40 = tpu.memref_slice %arg6[%add3A_32, %dma_wait3A_39] : memref<2048x1024xf32, #tpu.memory_space<hbm>> -> memref<32x1024xf32, #tpu.memory_space<hbm>>
      tpu.wait_dma2 semaphore(%run_scoped3A : memref<!tpu.dma_semaphore, #tpu.memory_space<semaphore_mem>>) src(%arg11 : memref<32x1024xf32, #tpu.memory_space<vmem>>) dst(%dma_wait3A_40 : memref<32x1024xf32, #tpu.memory_space<hbm>>)
      tpu.yield
    }) : () -> ()
    return
  }
}

module attributes {stable_mosaic.version = 14 : i64} {
  func.func @_mlp_body(%arg0: i32, %arg1: memref<8xi32, #tpu.memory_space<smem>>, %arg2: memref<16xi32, #tpu.memory_space<smem>>, %arg3: memref<16xi32, #tpu.memory_space<smem>>, %arg4: memref<512x1024xf32, #tpu.memory_space<vmem>>, %arg5: memref<1x1024x1024xf32, #tpu.memory_space<vmem>>, %arg6: memref<1x1024x512xf32, #tpu.memory_space<vmem>>, %arg7: memref<512x1024xf32, #tpu.memory_space<vmem>>) attributes {dimension_semantics = [#tpu.dimension_semantics<arbitrary>], iteration_bounds = array<i64: 16>, scalar_prefetch = 3 : i64, scratch_operands = 0 : i64, tpu.core_type = #tpu.core_type<tc>, window_params = [{transform_indices = @transform_0, window_bounds = array<i64: 512, 1024>}, {transform_indices = @transform_1, window_bounds = array<i64: 1, 1024, 1024>}, {transform_indices = @transform_2, window_bounds = array<i64: 1, 1024, 512>}, {transform_indices = @transform_3, window_bounds = array<i64: 512, 1024>}]} {
    %get3A = arith.index_cast %arg0 : i32 to index
    %get3A_0 = memref.load %arg2[%get3A] : memref<16xi32, #tpu.memory_space<smem>>
    %get3A_1 = arith.index_cast %arg0 : i32 to index
    %get3A_2 = memref.load %arg3[%get3A_1] : memref<16xi32, #tpu.memory_space<smem>>
    %mul3A = arith.constant 4 : i32
    %mul3A_3 = arith.muli %get3A_0, %mul3A : i32
    %sub3A = arith.subi %get3A_2, %mul3A_3 : i32
    %mul3A_4 = arith.constant 512 : i32
    %mul3A_5 = arith.muli %sub3A, %mul3A_4 : i32
    %get3A_6 = arith.index_cast %get3A_0 : i32 to index
    %get3A_7 = memref.load %arg1[%get3A_6] : memref<8xi32, #tpu.memory_space<smem>>
    %lt3A = arith.cmpi slt, %mul3A_5, %get3A_7 : i32
    %convert_element_type3A = arith.extui %lt3A : i1 to i32
    %cond3A = arith.constant 0 : i32
    %cond3A_8 = arith.cmpi ne, %convert_element_type3A, %cond3A : i32
    scf.if %cond3A_8 {
      %get3A_9 = arith.constant 0 : index
      %get3A_10 = arith.constant 0 : index
      %get3A_11 = vector.load %arg4[%get3A_9, %get3A_10] : memref<512x1024xf32, #tpu.memory_space<vmem>>, vector<512x1024xf32>
      %get3A_12 = arith.constant 0 : index
      %get3A_13 = arith.constant 0 : index
      %get3A_14 = arith.constant 0 : index
      %get3A_15 = vector.load %arg5[%get3A_12, %get3A_13, %get3A_14] : memref<1x1024x1024xf32, #tpu.memory_space<vmem>>, vector<1x1024x1024xf32>
      %get3A_16 = vector.shape_cast %get3A_15 : vector<1x1024x1024xf32> to vector<1024x1024xf32>
      %dot_general3A = arith.constant dense<0.000000e+00> : vector<512x1024xf32>
      %dot_general3A_17 = tpu.matmul %get3A_11, %get3A_16, %dot_general3A {dimension_numbers = #tpu.dot_dimension_numbers<[1], [1], [0], [0], [0, 0, 1, 0], [], []>, transpose_lhs_hint = false} : vector<512x1024xf32>, vector<1024x1024xf32>, vector<512x1024xf32> -> vector<512x1024xf32>
      %slice3A = vector.extract_strided_slice %dot_general3A_17 {offsets = [0, 0], sizes = [512, 512], strides = [1, 1]} : vector<512x1024xf32> to vector<512x512xf32>
      %logistic3A = arith.negf %slice3A : vector<512x512xf32>
      %logistic3A_18 = math.exp %logistic3A : vector<512x512xf32>
      %logistic3A_19 = arith.constant 1.000000e+00 : f32
      %logistic3A_20 = vector.broadcast %logistic3A_19 : f32 to vector<512x512xf32>
      %logistic3A_21 = arith.addf %logistic3A_20, %logistic3A_18 : vector<512x512xf32>
      %logistic3A_22 = arith.divf %logistic3A_20, %logistic3A_21 : vector<512x512xf32>
      %mul3A_23 = arith.mulf %slice3A, %logistic3A_22 : vector<512x512xf32>
      %slice3A_24 = vector.extract_strided_slice %dot_general3A_17 {offsets = [0, 512], sizes = [512, 512], strides = [1, 1]} : vector<512x1024xf32> to vector<512x512xf32>
      %mul3A_25 = arith.mulf %mul3A_23, %slice3A_24 : vector<512x512xf32>
      %get3A_26 = arith.constant 0 : index
      %get3A_27 = arith.constant 0 : index
      %get3A_28 = arith.constant 0 : index
      %get3A_29 = vector.load %arg6[%get3A_26, %get3A_27, %get3A_28] : memref<1x1024x512xf32, #tpu.memory_space<vmem>>, vector<1x1024x512xf32>
      %get3A_30 = vector.shape_cast %get3A_29 : vector<1x1024x512xf32> to vector<1024x512xf32>
      %dot_general3A_31 = arith.constant dense<0.000000e+00> : vector<512x1024xf32>
      %dot_general3A_32 = tpu.matmul %mul3A_25, %get3A_30, %dot_general3A_31 {dimension_numbers = #tpu.dot_dimension_numbers<[1], [1], [0], [0], [0, 0, 1, 0], [], []>, transpose_lhs_hint = false} : vector<512x512xf32>, vector<1024x512xf32>, vector<512x1024xf32> -> vector<512x1024xf32>
      %swap3A = arith.constant 0 : index
      %swap3A_33 = arith.constant 0 : index
      %swap3A_34 = vector.load %arg7[%swap3A, %swap3A_33] : memref<512x1024xf32, #tpu.memory_space<vmem>>, vector<512x1024xf32>
      tpu.vector_store %arg7[%swap3A, %swap3A_33], %dot_general3A_32 {strides = array<i32>} : memref<512x1024xf32, #tpu.memory_space<vmem>>, vector<512x1024xf32>,
    } else {
    }
    return
  }
  func.func @transform_0(%arg0: i32, %arg1: memref<8xi32, #tpu.memory_space<smem>>, %arg2: memref<16xi32, #tpu.memory_space<smem>>, %arg3: memref<16xi32, #tpu.memory_space<smem>>) -> (i32, i32) {
    %get3A = arith.index_cast %arg0 : i32 to index
    %get3A_0 = memref.load %arg3[%get3A] : memref<16xi32, #tpu.memory_space<smem>>
    %c0_i32 = arith.constant 0 : i32
    %c0_i32_1 = arith.constant 0 : i32
    return %get3A_0, %c0_i32 : i32, i32
  }
  func.func @transform_1(%arg0: i32, %arg1: memref<8xi32, #tpu.memory_space<smem>>, %arg2: memref<16xi32, #tpu.memory_space<smem>>, %arg3: memref<16xi32, #tpu.memory_space<smem>>) -> (i32, i32, i32) {
    %get3A = arith.index_cast %arg0 : i32 to index
    %get3A_0 = memref.load %arg2[%get3A] : memref<16xi32, #tpu.memory_space<smem>>
    %c0_i32 = arith.constant 0 : i32
    %c0_i32_1 = arith.constant 0 : i32
    %c0_i32_2 = arith.constant 0 : i32
    return %get3A_0, %c0_i32, %c0_i32_1 : i32, i32, i32
  }
  func.func @transform_2(%arg0: i32, %arg1: memref<8xi32, #tpu.memory_space<smem>>, %arg2: memref<16xi32, #tpu.memory_space<smem>>, %arg3: memref<16xi32, #tpu.memory_space<smem>>) -> (i32, i32, i32) {
    %get3A = arith.index_cast %arg0 : i32 to index
    %get3A_0 = memref.load %arg2[%get3A] : memref<16xi32, #tpu.memory_space<smem>>
    %c0_i32 = arith.constant 0 : i32
    %c0_i32_1 = arith.constant 0 : i32
    %c0_i32_2 = arith.constant 0 : i32
    return %get3A_0, %c0_i32, %c0_i32_1 : i32, i32, i32
  }
  func.func @transform_3(%arg0: i32, %arg1: memref<8xi32, #tpu.memory_space<smem>>, %arg2: memref<16xi32, #tpu.memory_space<smem>>, %arg3: memref<16xi32, #tpu.memory_space<smem>>) -> (i32, i32) {
    %get3A = arith.index_cast %arg0 : i32 to index
    %get3A_0 = memref.load %arg3[%get3A] : memref<16xi32, #tpu.memory_space<smem>>
    %c0_i32 = arith.constant 0 : i32
    %c0_i32_1 = arith.constant 0 : i32
    return %get3A_0, %c0_i32 : i32, i32
  }
}

module attributes {stable_mosaic.version = 14 : i64} {
  func.func @_final_body(%arg0: i32, %arg1: memref<256x1024xf32, #tpu.memory_space<vmem>>, %arg2: memref<256x1024xf32, #tpu.memory_space<vmem>>, %arg3: memref<256x1xf32, #tpu.memory_space<vmem>>, %arg4: memref<256x1xf32, #tpu.memory_space<vmem>>, %arg5: memref<256x1024xf32, #tpu.memory_space<vmem>>, %arg6: memref<256x1024xf32, #tpu.memory_space<vmem>>) attributes {dimension_semantics = [#tpu.dimension_semantics<arbitrary>], iteration_bounds = array<i64: 8>, scalar_prefetch = 0 : i64, scratch_operands = 0 : i64, tpu.core_type = #tpu.core_type<tc>, window_params = [{transform_indices = @transform_0, window_bounds = array<i64: 256, 1024>}, {transform_indices = @transform_1, window_bounds = array<i64: 256, 1024>}, {transform_indices = @transform_2, window_bounds = array<i64: 256, 1>}, {transform_indices = @transform_3, window_bounds = array<i64: 256, 1>}, {transform_indices = @transform_4, window_bounds = array<i64: 256, 1024>}, {transform_indices = @transform_5, window_bounds = array<i64: 256, 1024>}]} {
    %get3A = arith.constant 0 : index
    %get3A_0 = arith.constant 0 : index
    %get3A_1 = vector.load %arg1[%get3A, %get3A_0] : memref<256x1024xf32, #tpu.memory_space<vmem>>, vector<256x1024xf32>
    %get3A_2 = arith.constant 0 : index
    %get3A_3 = arith.constant 0 : index
    %get3A_4 = vector.load %arg3[%get3A_2, %get3A_3] : memref<256x1xf32, #tpu.memory_space<vmem>>, vector<256x1xf32>
    %mul3A = vector.broadcast %get3A_4 : vector<256x1xf32> to vector<256x1024xf32>
    %mul3A_5 = arith.mulf %get3A_1, %mul3A : vector<256x1024xf32>
    %get3A_6 = arith.constant 0 : index
    %get3A_7 = arith.constant 0 : index
    %get3A_8 = vector.load %arg2[%get3A_6, %get3A_7] : memref<256x1024xf32, #tpu.memory_space<vmem>>, vector<256x1024xf32>
    %get3A_9 = arith.constant 0 : index
    %get3A_10 = arith.constant 0 : index
    %get3A_11 = vector.load %arg4[%get3A_9, %get3A_10] : memref<256x1xf32, #tpu.memory_space<vmem>>, vector<256x1xf32>
    %mul3A_12 = vector.broadcast %get3A_11 : vector<256x1xf32> to vector<256x1024xf32>
    %mul3A_13 = arith.mulf %get3A_8, %mul3A_12 : vector<256x1024xf32>
    %add3A = arith.addf %mul3A_5, %mul3A_13 : vector<256x1024xf32>
    %mul3A_14 = arith.constant 1.500000e+00 : f32
    %mul3A_15 = vector.broadcast %mul3A_14 : f32 to vector<256x1024xf32>
    %mul3A_16 = arith.mulf %add3A, %mul3A_15 : vector<256x1024xf32>
    %get3A_17 = arith.constant 0 : index
    %get3A_18 = arith.constant 0 : index
    %get3A_19 = vector.load %arg5[%get3A_17, %get3A_18] : memref<256x1024xf32, #tpu.memory_space<vmem>>, vector<256x1024xf32>
    %add3A_20 = arith.addf %mul3A_16, %get3A_19 : vector<256x1024xf32>
    %swap3A = arith.constant 0 : index
    %swap3A_21 = arith.constant 0 : index
    %swap3A_22 = vector.load %arg6[%swap3A, %swap3A_21] : memref<256x1024xf32, #tpu.memory_space<vmem>>, vector<256x1024xf32>
    tpu.vector_store %arg6[%swap3A, %swap3A_21], %add3A_20 {strides = array<i32>} : memref<256x1024xf32, #tpu.memory_space<vmem>>, vector<256x1024xf32>,
    return
  }
  func.func @transform_0(%arg0: i32) -> (i32, i32) {
    %c0_i32 = arith.constant 0 : i32
    %c0_i32_0 = arith.constant 0 : i32
    return %arg0, %c0_i32 : i32, i32
  }
  func.func @transform_1(%arg0: i32) -> (i32, i32) {
    %c0_i32 = arith.constant 0 : i32
    %c0_i32_0 = arith.constant 0 : i32
    return %arg0, %c0_i32 : i32, i32
  }
  func.func @transform_2(%arg0: i32) -> (i32, i32) {
    %c0_i32 = arith.constant 0 : i32
    %c0_i32_0 = arith.constant 0 : i32
    return %arg0, %c0_i32 : i32, i32
  }
  func.func @transform_3(%arg0: i32) -> (i32, i32) {
    %c0_i32 = arith.constant 0 : i32
    %c0_i32_0 = arith.constant 0 : i32
    return %arg0, %c0_i32 : i32, i32
  }
  func.func @transform_4(%arg0: i32) -> (i32, i32) {
    %c0_i32 = arith.constant 0 : i32
    %c0_i32_0 = arith.constant 0 : i32
    return %arg0, %c0_i32 : i32, i32
  }
  func.func @transform_5(%arg0: i32) -> (i32, i32) {
    %c0_i32 = arith.constant 0 : i32
    %c0_i32_0 = arith.constant 0 : i32
    return %arg0, %c0_i32 : i32, i32
  }
}

module attributes {stable_mosaic.version = 14 : i64} {
  func.func @_router_body(%arg0: memref<2048x1024xf32, #tpu.memory_space<vmem>>, %arg1: memref<8x1024xf32, #tpu.memory_space<vmem>>, %arg2: memref<1x8xf32, #tpu.memory_space<vmem>>, %arg3: memref<2048x1xi32, #tpu.memory_space<vmem>>, %arg4: memref<2048x1xi32, #tpu.memory_space<vmem>>, %arg5: memref<2048x1xf32, #tpu.memory_space<vmem>>, %arg6: memref<2048x1xf32, #tpu.memory_space<vmem>>, %arg7: memref<1x8xi32, #tpu.memory_space<vmem>>, %arg8: memref<16x1xi32, #tpu.memory_space<vmem>>, %arg9: memref<16x1xi32, #tpu.memory_space<vmem>>) attributes {dimension_semantics = [], scalar_prefetch = 0 : i64, scratch_operands = 0 : i64, tpu.core_type = #tpu.core_type<tc>} {
    %get3A = arith.constant 0 : index
    %get3A_0 = arith.constant 0 : index
    %get3A_1 = vector.load %arg0[%get3A, %get3A_0] : memref<2048x1024xf32, #tpu.memory_space<vmem>>, vector<2048x1024xf32>
    %get3A_2 = arith.constant 0 : index
    %get3A_3 = arith.constant 0 : index
    %get3A_4 = vector.load %arg1[%get3A_2, %get3A_3] : memref<8x1024xf32, #tpu.memory_space<vmem>>, vector<8x1024xf32>
    %dot_general3A = arith.constant dense<0.000000e+00> : vector<2048x8xf32>
    %dot_general3A_5 = tpu.matmul %get3A_1, %get3A_4, %dot_general3A {dimension_numbers = #tpu.dot_dimension_numbers<[1], [1], [0], [0], [0, 0, 1, 0], [], []>, transpose_lhs_hint = false} : vector<2048x1024xf32>, vector<8x1024xf32>, vector<2048x8xf32> -> vector<2048x8xf32>
    %reduce_max3A = arith.constant dense<0xFF800000> : vector<2048xf32>
    %reduce_max3A_6 = vector.multi_reduction <maximumf>, %dot_general3A_5, %reduce_max3A [1] : vector<2048x8xf32> to vector<2048xf32>
    %broadcast_in_dim3A = vector.shape_cast %reduce_max3A_6 : vector<2048xf32> to vector<2048x1xf32>
    %sub3A = vector.broadcast %broadcast_in_dim3A : vector<2048x1xf32> to vector<2048x8xf32>
    %sub3A_7 = arith.subf %dot_general3A_5, %sub3A : vector<2048x8xf32>
    %exp3A = math.exp %sub3A_7 : vector<2048x8xf32>
    %reduce_sum3A = arith.constant dense<0.000000e+00> : vector<2048xf32>
    %reduce_sum3A_8 = vector.multi_reduction <add>, %exp3A, %reduce_sum3A [1] : vector<2048x8xf32> to vector<2048xf32>
    %broadcast_in_dim3A_9 = vector.shape_cast %reduce_sum3A_8 : vector<2048xf32> to vector<2048x1xf32>
    %div3A = vector.broadcast %broadcast_in_dim3A_9 : vector<2048x1xf32> to vector<2048x8xf32>
    %div3A_10 = arith.divf %exp3A, %div3A : vector<2048x8xf32>
    %iota3A = tpu.iota {dimensions = array<i32: 1>} : vector<2048x8xi32>
    %eq3A = arith.constant 0 : i32
    %eq3A_11 = vector.broadcast %eq3A : i32 to vector<2048x8xi32>
    %eq3A_12 = arith.cmpi eq, %iota3A, %eq3A_11 : vector<2048x8xi32>
    %jit3A = arith.constant 0.000000e+00 : f32
    %broadcast_in_dim3A_13 = vector.broadcast %jit3A : f32 to vector<2048x8xf32>
    %select_n3A = arith.select %eq3A_12, %div3A_10, %broadcast_in_dim3A_13 : vector<2048x8xi1>, vector<2048x8xf32>
    %reduce_sum3A_14 = arith.constant dense<0.000000e+00> : vector<2048xf32>
    %reduce_sum3A_15 = vector.multi_reduction <add>, %select_n3A, %reduce_sum3A_14 [1] : vector<2048x8xf32> to vector<2048xf32>
    %broadcast_in_dim3A_16 = vector.shape_cast %reduce_sum3A_15 : vector<2048xf32> to vector<2048x1xf32>
    %eq3A_17 = arith.constant 1 : i32
    %eq3A_18 = vector.broadcast %eq3A_17 : i32 to vector<2048x8xi32>
    %eq3A_19 = arith.cmpi eq, %iota3A, %eq3A_18 : vector<2048x8xi32>
    %jit3A_20 = arith.constant 0.000000e+00 : f32
    %broadcast_in_dim3A_21 = vector.broadcast %jit3A_20 : f32 to vector<2048x8xf32>
    %select_n3A_22 = arith.select %eq3A_19, %div3A_10, %broadcast_in_dim3A_21 : vector<2048x8xi1>, vector<2048x8xf32>
    %reduce_sum3A_23 = arith.constant dense<0.000000e+00> : vector<2048xf32>
    %reduce_sum3A_24 = vector.multi_reduction <add>, %select_n3A_22, %reduce_sum3A_23 [1] : vector<2048x8xf32> to vector<2048xf32>
    %broadcast_in_dim3A_25 = vector.shape_cast %reduce_sum3A_24 : vector<2048xf32> to vector<2048x1xf32>
    %eq3A_26 = arith.constant 2 : i32
    %eq3A_27 = vector.broadcast %eq3A_26 : i32 to vector<2048x8xi32>
    %eq3A_28 = arith.cmpi eq, %iota3A, %eq3A_27 : vector<2048x8xi32>
    %jit3A_29 = arith.constant 0.000000e+00 : f32
    %broadcast_in_dim3A_30 = vector.broadcast %jit3A_29 : f32 to vector<2048x8xf32>
    %select_n3A_31 = arith.select %eq3A_28, %div3A_10, %broadcast_in_dim3A_30 : vector<2048x8xi1>, vector<2048x8xf32>
    %reduce_sum3A_32 = arith.constant dense<0.000000e+00> : vector<2048xf32>
    %reduce_sum3A_33 = vector.multi_reduction <add>, %select_n3A_31, %reduce_sum3A_32 [1] : vector<2048x8xf32> to vector<2048xf32>
    %broadcast_in_dim3A_34 = vector.shape_cast %reduce_sum3A_33 : vector<2048xf32> to vector<2048x1xf32>
    %eq3A_35 = arith.constant 3 : i32
    %eq3A_36 = vector.broadcast %eq3A_35 : i32 to vector<2048x8xi32>
    %eq3A_37 = arith.cmpi eq, %iota3A, %eq3A_36 : vector<2048x8xi32>
    %jit3A_38 = arith.constant 0.000000e+00 : f32
    %broadcast_in_dim3A_39 = vector.broadcast %jit3A_38 : f32 to vector<2048x8xf32>
    %select_n3A_40 = arith.select %eq3A_37, %div3A_10, %broadcast_in_dim3A_39 : vector<2048x8xi1>, vector<2048x8xf32>
    %reduce_sum3A_41 = arith.constant dense<0.000000e+00> : vector<2048xf32>
    %reduce_sum3A_42 = vector.multi_reduction <add>, %select_n3A_40, %reduce_sum3A_41 [1] : vector<2048x8xf32> to vector<2048xf32>
    %broadcast_in_dim3A_43 = vector.shape_cast %reduce_sum3A_42 : vector<2048xf32> to vector<2048x1xf32>
    %eq3A_44 = arith.constant 4 : i32
    %eq3A_45 = vector.broadcast %eq3A_44 : i32 to vector<2048x8xi32>
    %eq3A_46 = arith.cmpi eq, %iota3A, %eq3A_45 : vector<2048x8xi32>
    %jit3A_47 = arith.constant 0.000000e+00 : f32
    %broadcast_in_dim3A_48 = vector.broadcast %jit3A_47 : f32 to vector<2048x8xf32>
    %select_n3A_49 = arith.select %eq3A_46, %div3A_10, %broadcast_in_dim3A_48 : vector<2048x8xi1>, vector<2048x8xf32>
    %reduce_sum3A_50 = arith.constant dense<0.000000e+00> : vector<2048xf32>
    %reduce_sum3A_51 = vector.multi_reduction <add>, %select_n3A_49, %reduce_sum3A_50 [1] : vector<2048x8xf32> to vector<2048xf32>
    %broadcast_in_dim3A_52 = vector.shape_cast %reduce_sum3A_51 : vector<2048xf32> to vector<2048x1xf32>
    %eq3A_53 = arith.constant 5 : i32
    %eq3A_54 = vector.broadcast %eq3A_53 : i32 to vector<2048x8xi32>
    %eq3A_55 = arith.cmpi eq, %iota3A, %eq3A_54 : vector<2048x8xi32>
    %jit3A_56 = arith.constant 0.000000e+00 : f32
    %broadcast_in_dim3A_57 = vector.broadcast %jit3A_56 : f32 to vector<2048x8xf32>
    %select_n3A_58 = arith.select %eq3A_55, %div3A_10, %broadcast_in_dim3A_57 : vector<2048x8xi1>, vector<2048x8xf32>
    %reduce_sum3A_59 = arith.constant dense<0.000000e+00> : vector<2048xf32>
    %reduce_sum3A_60 = vector.multi_reduction <add>, %select_n3A_58, %reduce_sum3A_59 [1] : vector<2048x8xf32> to vector<2048xf32>
    %broadcast_in_dim3A_61 = vector.shape_cast %reduce_sum3A_60 : vector<2048xf32> to vector<2048x1xf32>
    %eq3A_62 = arith.constant 6 : i32
    %eq3A_63 = vector.broadcast %eq3A_62 : i32 to vector<2048x8xi32>
    %eq3A_64 = arith.cmpi eq, %iota3A, %eq3A_63 : vector<2048x8xi32>
    %jit3A_65 = arith.constant 0.000000e+00 : f32
    %broadcast_in_dim3A_66 = vector.broadcast %jit3A_65 : f32 to vector<2048x8xf32>
    %select_n3A_67 = arith.select %eq3A_64, %div3A_10, %broadcast_in_dim3A_66 : vector<2048x8xi1>, vector<2048x8xf32>
    %reduce_sum3A_68 = arith.constant dense<0.000000e+00> : vector<2048xf32>
    %reduce_sum3A_69 = vector.multi_reduction <add>, %select_n3A_67, %reduce_sum3A_68 [1] : vector<2048x8xf32> to vector<2048xf32>
    %broadcast_in_dim3A_70 = vector.shape_cast %reduce_sum3A_69 : vector<2048xf32> to vector<2048x1xf32>
    %eq3A_71 = arith.constant 7 : i32
    %eq3A_72 = vector.broadcast %eq3A_71 : i32 to vector<2048x8xi32>
    %eq3A_73 = arith.cmpi eq, %iota3A, %eq3A_72 : vector<2048x8xi32>
    %jit3A_74 = arith.constant 0.000000e+00 : f32
    %broadcast_in_dim3A_75 = vector.broadcast %jit3A_74 : f32 to vector<2048x8xf32>
    %select_n3A_76 = arith.select %eq3A_73, %div3A_10, %broadcast_in_dim3A_75 : vector<2048x8xi1>, vector<2048x8xf32>
    %reduce_sum3A_77 = arith.constant dense<0.000000e+00> : vector<2048xf32>
    %reduce_sum3A_78 = vector.multi_reduction <add>, %select_n3A_76, %reduce_sum3A_77 [1] : vector<2048x8xf32> to vector<2048xf32>
    %broadcast_in_dim3A_79 = vector.shape_cast %reduce_sum3A_78 : vector<2048xf32> to vector<2048x1xf32>
    %get3A_80 = arith.constant 0 : index
    %get3A_81 = arith.constant 0 : index
    %get3A_82 = vector.load %arg2[%get3A_80, %get3A_81] : memref<1x8xf32, #tpu.memory_space<vmem>>, vector<1x1xf32>
    %get3A_83 = vector.extract %get3A_82[0, 0] : f32 from vector<1x1xf32>
    %add3A = vector.broadcast %get3A_83 : f32 to vector<2048x1xf32>
    %add3A_84 = arith.addf %broadcast_in_dim3A_16, %add3A : vector<2048x1xf32>
    %get3A_85 = arith.constant 0 : index
    %get3A_86 = arith.constant 1 : index
    %get3A_87 = vector.load %arg2[%get3A_85, %get3A_86] : memref<1x8xf32, #tpu.memory_space<vmem>>, vector<1x1xf32>
    %get3A_88 = vector.extract %get3A_87[0, 0] : f32 from vector<1x1xf32>
    %add3A_89 = vector.broadcast %get3A_88 : f32 to vector<2048x1xf32>
    %add3A_90 = arith.addf %broadcast_in_dim3A_25, %add3A_89 : vector<2048x1xf32>
    %get3A_91 = arith.constant 0 : index
    %get3A_92 = arith.constant 2 : index
    %get3A_93 = vector.load %arg2[%get3A_91, %get3A_92] : memref<1x8xf32, #tpu.memory_space<vmem>>, vector<1x1xf32>
    %get3A_94 = vector.extract %get3A_93[0, 0] : f32 from vector<1x1xf32>
    %add3A_95 = vector.broadcast %get3A_94 : f32 to vector<2048x1xf32>
    %add3A_96 = arith.addf %broadcast_in_dim3A_34, %add3A_95 : vector<2048x1xf32>
    %get3A_97 = arith.constant 0 : index
    %get3A_98 = arith.constant 3 : index
    %get3A_99 = vector.load %arg2[%get3A_97, %get3A_98] : memref<1x8xf32, #tpu.memory_space<vmem>>, vector<1x1xf32>
    %get3A_100 = vector.extract %get3A_99[0, 0] : f32 from vector<1x1xf32>
    %add3A_101 = vector.broadcast %get3A_100 : f32 to vector<2048x1xf32>
    %add3A_102 = arith.addf %broadcast_in_dim3A_43, %add3A_101 : vector<2048x1xf32>
    %get3A_103 = arith.constant 0 : index
    %get3A_104 = arith.constant 4 : index
    %get3A_105 = vector.load %arg2[%get3A_103, %get3A_104] : memref<1x8xf32, #tpu.memory_space<vmem>>, vector<1x1xf32>
    %get3A_106 = vector.extract %get3A_105[0, 0] : f32 from vector<1x1xf32>
    %add3A_107 = vector.broadcast %get3A_106 : f32 to vector<2048x1xf32>
    %add3A_108 = arith.addf %broadcast_in_dim3A_52, %add3A_107 : vector<2048x1xf32>
    %get3A_109 = arith.constant 0 : index
    %get3A_110 = arith.constant 5 : index
    %get3A_111 = vector.load %arg2[%get3A_109, %get3A_110] : memref<1x8xf32, #tpu.memory_space<vmem>>, vector<1x1xf32>
    %get3A_112 = vector.extract %get3A_111[0, 0] : f32 from vector<1x1xf32>
    %add3A_113 = vector.broadcast %get3A_112 : f32 to vector<2048x1xf32>
    %add3A_114 = arith.addf %broadcast_in_dim3A_61, %add3A_113 : vector<2048x1xf32>
    %get3A_115 = arith.constant 0 : index
    %get3A_116 = arith.constant 6 : index
    %get3A_117 = vector.load %arg2[%get3A_115, %get3A_116] : memref<1x8xf32, #tpu.memory_space<vmem>>, vector<1x1xf32>
    %get3A_118 = vector.extract %get3A_117[0, 0] : f32 from vector<1x1xf32>
    %add3A_119 = vector.broadcast %get3A_118 : f32 to vector<2048x1xf32>
    %add3A_120 = arith.addf %broadcast_in_dim3A_70, %add3A_119 : vector<2048x1xf32>
    %get3A_121 = arith.constant 0 : index
    %get3A_122 = arith.constant 7 : index
    %get3A_123 = vector.load %arg2[%get3A_121, %get3A_122] : memref<1x8xf32, #tpu.memory_space<vmem>>, vector<1x1xf32>
    %get3A_124 = vector.extract %get3A_123[0, 0] : f32 from vector<1x1xf32>
    %add3A_125 = vector.broadcast %get3A_124 : f32 to vector<2048x1xf32>
    %add3A_126 = arith.addf %broadcast_in_dim3A_79, %add3A_125 : vector<2048x1xf32>
    %add3A_127 = arith.addf %add3A_84, %add3A_90 : vector<2048x1xf32>
    %add3A_128 = arith.addf %add3A_96, %add3A_102 : vector<2048x1xf32>
    %add3A_129 = arith.addf %add3A_108, %add3A_114 : vector<2048x1xf32>
    %add3A_130 = arith.addf %add3A_120, %add3A_126 : vector<2048x1xf32>
    %max3A = arith.maximumf %add3A_127, %add3A_128 : vector<2048x1xf32>
    %max3A_131 = arith.maximumf %max3A, %add3A_129 : vector<2048x1xf32>
    %max3A_132 = arith.maximumf %max3A_131, %add3A_130 : vector<2048x1xf32>
    %broadcast_in_dim3A_133 = arith.constant 4.000000e+00 : f32
    %broadcast_in_dim3A_134 = vector.broadcast %broadcast_in_dim3A_133 : f32 to vector<2048x1xf32>
    %eq3A_135 = arith.cmpf oeq, %add3A_130, %max3A_132 : vector<2048x1xf32>
    %jit3A_136 = arith.constant 3.000000e+00 : f32
    %broadcast_in_dim3A_137 = vector.broadcast %jit3A_136 : f32 to vector<2048x1xf32>
    %select_n3A_138 = arith.select %eq3A_135, %broadcast_in_dim3A_137, %broadcast_in_dim3A_134 : vector<2048x1xi1>, vector<2048x1xf32>
    %eq3A_139 = arith.cmpf oeq, %add3A_129, %max3A_132 : vector<2048x1xf32>
    %jit3A_140 = arith.constant 2.000000e+00 : f32
    %broadcast_in_dim3A_141 = vector.broadcast %jit3A_140 : f32 to vector<2048x1xf32>
    %select_n3A_142 = arith.select %eq3A_139, %broadcast_in_dim3A_141, %select_n3A_138 : vector<2048x1xi1>, vector<2048x1xf32>
    %eq3A_143 = arith.cmpf oeq, %add3A_128, %max3A_132 : vector<2048x1xf32>
    %jit3A_144 = arith.constant 1.000000e+00 : f32
    %broadcast_in_dim3A_145 = vector.broadcast %jit3A_144 : f32 to vector<2048x1xf32>
    %select_n3A_146 = arith.select %eq3A_143, %broadcast_in_dim3A_145, %select_n3A_142 : vector<2048x1xi1>, vector<2048x1xf32>
    %eq3A_147 = arith.cmpf oeq, %add3A_127, %max3A_132 : vector<2048x1xf32>
    %jit3A_148 = arith.constant 0.000000e+00 : f32
    %broadcast_in_dim3A_149 = vector.broadcast %jit3A_148 : f32 to vector<2048x1xf32>
    %select_n3A_150 = arith.select %eq3A_147, %broadcast_in_dim3A_149, %select_n3A_146 : vector<2048x1xi1>, vector<2048x1xf32>
    %eq3A_151 = arith.constant 0.000000e+00 : f32
    %eq3A_152 = vector.broadcast %eq3A_151 : f32 to vector<2048x1xf32>
    %eq3A_153 = arith.cmpf oeq, %select_n3A_150, %eq3A_152 : vector<2048x1xf32>
    %jit3A_154 = arith.constant 0xFF800000 : f32
    %broadcast_in_dim3A_155 = vector.broadcast %jit3A_154 : f32 to vector<2048x1xf32>
    %select_n3A_156 = arith.select %eq3A_153, %broadcast_in_dim3A_155, %add3A_127 : vector<2048x1xi1>, vector<2048x1xf32>
    %eq3A_157 = arith.constant 1.000000e+00 : f32
    %eq3A_158 = vector.broadcast %eq3A_157 : f32 to vector<2048x1xf32>
    %eq3A_159 = arith.cmpf oeq, %select_n3A_150, %eq3A_158 : vector<2048x1xf32>
    %jit3A_160 = arith.constant 0xFF800000 : f32
    %broadcast_in_dim3A_161 = vector.broadcast %jit3A_160 : f32 to vector<2048x1xf32>
    %select_n3A_162 = arith.select %eq3A_159, %broadcast_in_dim3A_161, %add3A_128 : vector<2048x1xi1>, vector<2048x1xf32>
    %eq3A_163 = arith.constant 2.000000e+00 : f32
    %eq3A_164 = vector.broadcast %eq3A_163 : f32 to vector<2048x1xf32>
    %eq3A_165 = arith.cmpf oeq, %select_n3A_150, %eq3A_164 : vector<2048x1xf32>
    %jit3A_166 = arith.constant 0xFF800000 : f32
    %broadcast_in_dim3A_167 = vector.broadcast %jit3A_166 : f32 to vector<2048x1xf32>
    %select_n3A_168 = arith.select %eq3A_165, %broadcast_in_dim3A_167, %add3A_129 : vector<2048x1xi1>, vector<2048x1xf32>
    %eq3A_169 = arith.constant 3.000000e+00 : f32
    %eq3A_170 = vector.broadcast %eq3A_169 : f32 to vector<2048x1xf32>
    %eq3A_171 = arith.cmpf oeq, %select_n3A_150, %eq3A_170 : vector<2048x1xf32>
    %jit3A_172 = arith.constant 0xFF800000 : f32
    %broadcast_in_dim3A_173 = vector.broadcast %jit3A_172 : f32 to vector<2048x1xf32>
    %select_n3A_174 = arith.select %eq3A_171, %broadcast_in_dim3A_173, %add3A_130 : vector<2048x1xi1>, vector<2048x1xf32>
    %max3A_175 = arith.maximumf %select_n3A_156, %select_n3A_162 : vector<2048x1xf32>
    %max3A_176 = arith.maximumf %max3A_175, %select_n3A_168 : vector<2048x1xf32>
    %max3A_177 = arith.maximumf %max3A_176, %select_n3A_174 : vector<2048x1xf32>
    %broadcast_in_dim3A_178 = arith.constant 4.000000e+00 : f32
    %broadcast_in_dim3A_179 = vector.broadcast %broadcast_in_dim3A_178 : f32 to vector<2048x1xf32>
    %eq3A_180 = arith.cmpf oeq, %select_n3A_174, %max3A_177 : vector<2048x1xf32>
    %jit3A_181 = arith.constant 3.000000e+00 : f32
    %broadcast_in_dim3A_182 = vector.broadcast %jit3A_181 : f32 to vector<2048x1xf32>
    %select_n3A_183 = arith.select %eq3A_180, %broadcast_in_dim3A_182, %broadcast_in_dim3A_179 : vector<2048x1xi1>, vector<2048x1xf32>
    %eq3A_184 = arith.cmpf oeq, %select_n3A_168, %max3A_177 : vector<2048x1xf32>
    %jit3A_185 = arith.constant 2.000000e+00 : f32
    %broadcast_in_dim3A_186 = vector.broadcast %jit3A_185 : f32 to vector<2048x1xf32>
    %select_n3A_187 = arith.select %eq3A_184, %broadcast_in_dim3A_186, %select_n3A_183 : vector<2048x1xi1>, vector<2048x1xf32>
    %eq3A_188 = arith.cmpf oeq, %select_n3A_162, %max3A_177 : vector<2048x1xf32>
    %jit3A_189 = arith.constant 1.000000e+00 : f32
    %broadcast_in_dim3A_190 = vector.broadcast %jit3A_189 : f32 to vector<2048x1xf32>
    %select_n3A_191 = arith.select %eq3A_188, %broadcast_in_dim3A_190, %select_n3A_187 : vector<2048x1xi1>, vector<2048x1xf32>
    %eq3A_192 = arith.cmpf oeq, %select_n3A_156, %max3A_177 : vector<2048x1xf32>
    %jit3A_193 = arith.constant 0.000000e+00 : f32
    %broadcast_in_dim3A_194 = vector.broadcast %jit3A_193 : f32 to vector<2048x1xf32>
    %select_n3A_195 = arith.select %eq3A_192, %broadcast_in_dim3A_194, %select_n3A_191 : vector<2048x1xi1>, vector<2048x1xf32>
    %eq3A_196 = arith.constant 0.000000e+00 : f32
    %eq3A_197 = vector.broadcast %eq3A_196 : f32 to vector<2048x1xf32>
    %eq3A_198 = arith.cmpf oeq, %select_n3A_150, %eq3A_197 : vector<2048x1xf32>
    %eq3A_199 = arith.constant 0.000000e+00 : f32
    %eq3A_200 = vector.broadcast %eq3A_199 : f32 to vector<2048x1xf32>
    %eq3A_201 = arith.cmpf oeq, %select_n3A_195, %eq3A_200 : vector<2048x1xf32>
    %or3A = arith.ori %eq3A_198, %eq3A_201 : vector<2048x1xi1>
    %jit3A_202 = arith.constant 0xFF800000 : f32
    %broadcast_in_dim3A_203 = vector.broadcast %jit3A_202 : f32 to vector<2048x1xf32>
    %select_n3A_204 = arith.select %or3A, %add3A_84, %broadcast_in_dim3A_203 : vector<2048x1xi1>, vector<2048x1xf32>
    %eq3A_205 = arith.constant 0.000000e+00 : f32
    %eq3A_206 = vector.broadcast %eq3A_205 : f32 to vector<2048x1xf32>
    %eq3A_207 = arith.cmpf oeq, %select_n3A_150, %eq3A_206 : vector<2048x1xf32>
    %eq3A_208 = arith.constant 0.000000e+00 : f32
    %eq3A_209 = vector.broadcast %eq3A_208 : f32 to vector<2048x1xf32>
    %eq3A_210 = arith.cmpf oeq, %select_n3A_195, %eq3A_209 : vector<2048x1xf32>
    %or3A_211 = arith.ori %eq3A_207, %eq3A_210 : vector<2048x1xi1>
    %jit3A_212 = arith.constant 0xFF800000 : f32
    %broadcast_in_dim3A_213 = vector.broadcast %jit3A_212 : f32 to vector<2048x1xf32>
    %select_n3A_214 = arith.select %or3A_211, %add3A_90, %broadcast_in_dim3A_213 : vector<2048x1xi1>, vector<2048x1xf32>
    %eq3A_215 = arith.constant 1.000000e+00 : f32
    %eq3A_216 = vector.broadcast %eq3A_215 : f32 to vector<2048x1xf32>
    %eq3A_217 = arith.cmpf oeq, %select_n3A_150, %eq3A_216 : vector<2048x1xf32>
    %eq3A_218 = arith.constant 1.000000e+00 : f32
    %eq3A_219 = vector.broadcast %eq3A_218 : f32 to vector<2048x1xf32>
    %eq3A_220 = arith.cmpf oeq, %select_n3A_195, %eq3A_219 : vector<2048x1xf32>
    %or3A_221 = arith.ori %eq3A_217, %eq3A_220 : vector<2048x1xi1>
    %jit3A_222 = arith.constant 0xFF800000 : f32
    %broadcast_in_dim3A_223 = vector.broadcast %jit3A_222 : f32 to vector<2048x1xf32>
    %select_n3A_224 = arith.select %or3A_221, %add3A_96, %broadcast_in_dim3A_223 : vector<2048x1xi1>, vector<2048x1xf32>
    %eq3A_225 = arith.constant 1.000000e+00 : f32
    %eq3A_226 = vector.broadcast %eq3A_225 : f32 to vector<2048x1xf32>
    %eq3A_227 = arith.cmpf oeq, %select_n3A_150, %eq3A_226 : vector<2048x1xf32>
    %eq3A_228 = arith.constant 1.000000e+00 : f32
    %eq3A_229 = vector.broadcast %eq3A_228 : f32 to vector<2048x1xf32>
    %eq3A_230 = arith.cmpf oeq, %select_n3A_195, %eq3A_229 : vector<2048x1xf32>
    %or3A_231 = arith.ori %eq3A_227, %eq3A_230 : vector<2048x1xi1>
    %jit3A_232 = arith.constant 0xFF800000 : f32
    %broadcast_in_dim3A_233 = vector.broadcast %jit3A_232 : f32 to vector<2048x1xf32>
    %select_n3A_234 = arith.select %or3A_231, %add3A_102, %broadcast_in_dim3A_233 : vector<2048x1xi1>, vector<2048x1xf32>
    %eq3A_235 = arith.constant 2.000000e+00 : f32
    %eq3A_236 = vector.broadcast %eq3A_235 : f32 to vector<2048x1xf32>
    %eq3A_237 = arith.cmpf oeq, %select_n3A_150, %eq3A_236 : vector<2048x1xf32>
    %eq3A_238 = arith.constant 2.000000e+00 : f32
    %eq3A_239 = vector.broadcast %eq3A_238 : f32 to vector<2048x1xf32>
    %eq3A_240 = arith.cmpf oeq, %select_n3A_195, %eq3A_239 : vector<2048x1xf32>
    %or3A_241 = arith.ori %eq3A_237, %eq3A_240 : vector<2048x1xi1>
    %jit3A_242 = arith.constant 0xFF800000 : f32
    %broadcast_in_dim3A_243 = vector.broadcast %jit3A_242 : f32 to vector<2048x1xf32>
    %select_n3A_244 = arith.select %or3A_241, %add3A_108, %broadcast_in_dim3A_243 : vector<2048x1xi1>, vector<2048x1xf32>
    %eq3A_245 = arith.constant 2.000000e+00 : f32
    %eq3A_246 = vector.broadcast %eq3A_245 : f32 to vector<2048x1xf32>
    %eq3A_247 = arith.cmpf oeq, %select_n3A_150, %eq3A_246 : vector<2048x1xf32>
    %eq3A_248 = arith.constant 2.000000e+00 : f32
    %eq3A_249 = vector.broadcast %eq3A_248 : f32 to vector<2048x1xf32>
    %eq3A_250 = arith.cmpf oeq, %select_n3A_195, %eq3A_249 : vector<2048x1xf32>
    %or3A_251 = arith.ori %eq3A_247, %eq3A_250 : vector<2048x1xi1>
    %jit3A_252 = arith.constant 0xFF800000 : f32
    %broadcast_in_dim3A_253 = vector.broadcast %jit3A_252 : f32 to vector<2048x1xf32>
    %select_n3A_254 = arith.select %or3A_251, %add3A_114, %broadcast_in_dim3A_253 : vector<2048x1xi1>, vector<2048x1xf32>
    %eq3A_255 = arith.constant 3.000000e+00 : f32
    %eq3A_256 = vector.broadcast %eq3A_255 : f32 to vector<2048x1xf32>
    %eq3A_257 = arith.cmpf oeq, %select_n3A_150, %eq3A_256 : vector<2048x1xf32>
    %eq3A_258 = arith.constant 3.000000e+00 : f32
    %eq3A_259 = vector.broadcast %eq3A_258 : f32 to vector<2048x1xf32>
    %eq3A_260 = arith.cmpf oeq, %select_n3A_195, %eq3A_259 : vector<2048x1xf32>
    %or3A_261 = arith.ori %eq3A_257, %eq3A_260 : vector<2048x1xi1>
    %jit3A_262 = arith.constant 0xFF800000 : f32
    %broadcast_in_dim3A_263 = vector.broadcast %jit3A_262 : f32 to vector<2048x1xf32>
    %select_n3A_264 = arith.select %or3A_261, %add3A_120, %broadcast_in_dim3A_263 : vector<2048x1xi1>, vector<2048x1xf32>
    %eq3A_265 = arith.constant 3.000000e+00 : f32
    %eq3A_266 = vector.broadcast %eq3A_265 : f32 to vector<2048x1xf32>
    %eq3A_267 = arith.cmpf oeq, %select_n3A_150, %eq3A_266 : vector<2048x1xf32>
    %eq3A_268 = arith.constant 3.000000e+00 : f32
    %eq3A_269 = vector.broadcast %eq3A_268 : f32 to vector<2048x1xf32>
    %eq3A_270 = arith.cmpf oeq, %select_n3A_195, %eq3A_269 : vector<2048x1xf32>
    %or3A_271 = arith.ori %eq3A_267, %eq3A_270 : vector<2048x1xi1>
    %jit3A_272 = arith.constant 0xFF800000 : f32
    %broadcast_in_dim3A_273 = vector.broadcast %jit3A_272 : f32 to vector<2048x1xf32>
    %select_n3A_274 = arith.select %or3A_271, %add3A_126, %broadcast_in_dim3A_273 : vector<2048x1xi1>, vector<2048x1xf32>
    %max3A_275 = arith.maximumf %select_n3A_204, %select_n3A_214 : vector<2048x1xf32>
    %max3A_276 = arith.maximumf %max3A_275, %select_n3A_224 : vector<2048x1xf32>
    %max3A_277 = arith.maximumf %max3A_276, %select_n3A_234 : vector<2048x1xf32>
    %max3A_278 = arith.maximumf %max3A_277, %select_n3A_244 : vector<2048x1xf32>
    %max3A_279 = arith.maximumf %max3A_278, %select_n3A_254 : vector<2048x1xf32>
    %max3A_280 = arith.maximumf %max3A_279, %select_n3A_264 : vector<2048x1xf32>
    %max3A_281 = arith.maximumf %max3A_280, %select_n3A_274 : vector<2048x1xf32>
    %broadcast_in_dim3A_282 = arith.constant 8.000000e+00 : f32
    %broadcast_in_dim3A_283 = vector.broadcast %broadcast_in_dim3A_282 : f32 to vector<2048x1xf32>
    %eq3A_284 = arith.cmpf oeq, %select_n3A_274, %max3A_281 : vector<2048x1xf32>
    %jit3A_285 = arith.constant 7.000000e+00 : f32
    %broadcast_in_dim3A_286 = vector.broadcast %jit3A_285 : f32 to vector<2048x1xf32>
    %select_n3A_287 = arith.select %eq3A_284, %broadcast_in_dim3A_286, %broadcast_in_dim3A_283 : vector<2048x1xi1>, vector<2048x1xf32>
    %eq3A_288 = arith.cmpf oeq, %select_n3A_264, %max3A_281 : vector<2048x1xf32>
    %jit3A_289 = arith.constant 6.000000e+00 : f32
    %broadcast_in_dim3A_290 = vector.broadcast %jit3A_289 : f32 to vector<2048x1xf32>
    %select_n3A_291 = arith.select %eq3A_288, %broadcast_in_dim3A_290, %select_n3A_287 : vector<2048x1xi1>, vector<2048x1xf32>
    %eq3A_292 = arith.cmpf oeq, %select_n3A_254, %max3A_281 : vector<2048x1xf32>
    %jit3A_293 = arith.constant 5.000000e+00 : f32
    %broadcast_in_dim3A_294 = vector.broadcast %jit3A_293 : f32 to vector<2048x1xf32>
    %select_n3A_295 = arith.select %eq3A_292, %broadcast_in_dim3A_294, %select_n3A_291 : vector<2048x1xi1>, vector<2048x1xf32>
    %eq3A_296 = arith.cmpf oeq, %select_n3A_244, %max3A_281 : vector<2048x1xf32>
    %jit3A_297 = arith.constant 4.000000e+00 : f32
    %broadcast_in_dim3A_298 = vector.broadcast %jit3A_297 : f32 to vector<2048x1xf32>
    %select_n3A_299 = arith.select %eq3A_296, %broadcast_in_dim3A_298, %select_n3A_295 : vector<2048x1xi1>, vector<2048x1xf32>
    %eq3A_300 = arith.cmpf oeq, %select_n3A_234, %max3A_281 : vector<2048x1xf32>
    %jit3A_301 = arith.constant 3.000000e+00 : f32
    %broadcast_in_dim3A_302 = vector.broadcast %jit3A_301 : f32 to vector<2048x1xf32>
    %select_n3A_303 = arith.select %eq3A_300, %broadcast_in_dim3A_302, %select_n3A_299 : vector<2048x1xi1>, vector<2048x1xf32>
    %eq3A_304 = arith.cmpf oeq, %select_n3A_224, %max3A_281 : vector<2048x1xf32>
    %jit3A_305 = arith.constant 2.000000e+00 : f32
    %broadcast_in_dim3A_306 = vector.broadcast %jit3A_305 : f32 to vector<2048x1xf32>
    %select_n3A_307 = arith.select %eq3A_304, %broadcast_in_dim3A_306, %select_n3A_303 : vector<2048x1xi1>, vector<2048x1xf32>
    %eq3A_308 = arith.cmpf oeq, %select_n3A_214, %max3A_281 : vector<2048x1xf32>
    %jit3A_309 = arith.constant 1.000000e+00 : f32
    %broadcast_in_dim3A_310 = vector.broadcast %jit3A_309 : f32 to vector<2048x1xf32>
    %select_n3A_311 = arith.select %eq3A_308, %broadcast_in_dim3A_310, %select_n3A_307 : vector<2048x1xi1>, vector<2048x1xf32>
    %eq3A_312 = arith.cmpf oeq, %select_n3A_204, %max3A_281 : vector<2048x1xf32>
    %jit3A_313 = arith.constant 0.000000e+00 : f32
    %broadcast_in_dim3A_314 = vector.broadcast %jit3A_313 : f32 to vector<2048x1xf32>
    %select_n3A_315 = arith.select %eq3A_312, %broadcast_in_dim3A_314, %select_n3A_311 : vector<2048x1xi1>, vector<2048x1xf32>
    %eq3A_316 = arith.constant 0.000000e+00 : f32
    %eq3A_317 = vector.broadcast %eq3A_316 : f32 to vector<2048x1xf32>
    %eq3A_318 = arith.cmpf oeq, %select_n3A_315, %eq3A_317 : vector<2048x1xf32>
    %jit3A_319 = arith.constant 0xFF800000 : f32
    %broadcast_in_dim3A_320 = vector.broadcast %jit3A_319 : f32 to vector<2048x1xf32>
    %select_n3A_321 = arith.select %eq3A_318, %broadcast_in_dim3A_320, %select_n3A_204 : vector<2048x1xi1>, vector<2048x1xf32>
    %eq3A_322 = arith.constant 1.000000e+00 : f32
    %eq3A_323 = vector.broadcast %eq3A_322 : f32 to vector<2048x1xf32>
    %eq3A_324 = arith.cmpf oeq, %select_n3A_315, %eq3A_323 : vector<2048x1xf32>
    %jit3A_325 = arith.constant 0xFF800000 : f32
    %broadcast_in_dim3A_326 = vector.broadcast %jit3A_325 : f32 to vector<2048x1xf32>
    %select_n3A_327 = arith.select %eq3A_324, %broadcast_in_dim3A_326, %select_n3A_214 : vector<2048x1xi1>, vector<2048x1xf32>
    %eq3A_328 = arith.constant 2.000000e+00 : f32
    %eq3A_329 = vector.broadcast %eq3A_328 : f32 to vector<2048x1xf32>
    %eq3A_330 = arith.cmpf oeq, %select_n3A_315, %eq3A_329 : vector<2048x1xf32>
    %jit3A_331 = arith.constant 0xFF800000 : f32
    %broadcast_in_dim3A_332 = vector.broadcast %jit3A_331 : f32 to vector<2048x1xf32>
    %select_n3A_333 = arith.select %eq3A_330, %broadcast_in_dim3A_332, %select_n3A_224 : vector<2048x1xi1>, vector<2048x1xf32>
    %eq3A_334 = arith.constant 3.000000e+00 : f32
    %eq3A_335 = vector.broadcast %eq3A_334 : f32 to vector<2048x1xf32>
    %eq3A_336 = arith.cmpf oeq, %select_n3A_315, %eq3A_335 : vector<2048x1xf32>
    %jit3A_337 = arith.constant 0xFF800000 : f32
    %broadcast_in_dim3A_338 = vector.broadcast %jit3A_337 : f32 to vector<2048x1xf32>
    %select_n3A_339 = arith.select %eq3A_336, %broadcast_in_dim3A_338, %select_n3A_234 : vector<2048x1xi1>, vector<2048x1xf32>
    %eq3A_340 = arith.constant 4.000000e+00 : f32
    %eq3A_341 = vector.broadcast %eq3A_340 : f32 to vector<2048x1xf32>
    %eq3A_342 = arith.cmpf oeq, %select_n3A_315, %eq3A_341 : vector<2048x1xf32>
    %jit3A_343 = arith.constant 0xFF800000 : f32
    %broadcast_in_dim3A_344 = vector.broadcast %jit3A_343 : f32 to vector<2048x1xf32>
    %select_n3A_345 = arith.select %eq3A_342, %broadcast_in_dim3A_344, %select_n3A_244 : vector<2048x1xi1>, vector<2048x1xf32>
    %eq3A_346 = arith.constant 5.000000e+00 : f32
    %eq3A_347 = vector.broadcast %eq3A_346 : f32 to vector<2048x1xf32>
    %eq3A_348 = arith.cmpf oeq, %select_n3A_315, %eq3A_347 : vector<2048x1xf32>
    %jit3A_349 = arith.constant 0xFF800000 : f32
    %broadcast_in_dim3A_350 = vector.broadcast %jit3A_349 : f32 to vector<2048x1xf32>
    %select_n3A_351 = arith.select %eq3A_348, %broadcast_in_dim3A_350, %select_n3A_254 : vector<2048x1xi1>, vector<2048x1xf32>
    %eq3A_352 = arith.constant 6.000000e+00 : f32
    %eq3A_353 = vector.broadcast %eq3A_352 : f32 to vector<2048x1xf32>
    %eq3A_354 = arith.cmpf oeq, %select_n3A_315, %eq3A_353 : vector<2048x1xf32>
    %jit3A_355 = arith.constant 0xFF800000 : f32
    %broadcast_in_dim3A_356 = vector.broadcast %jit3A_355 : f32 to vector<2048x1xf32>
    %select_n3A_357 = arith.select %eq3A_354, %broadcast_in_dim3A_356, %select_n3A_264 : vector<2048x1xi1>, vector<2048x1xf32>
    %eq3A_358 = arith.constant 7.000000e+00 : f32
    %eq3A_359 = vector.broadcast %eq3A_358 : f32 to vector<2048x1xf32>
    %eq3A_360 = arith.cmpf oeq, %select_n3A_315, %eq3A_359 : vector<2048x1xf32>
    %jit3A_361 = arith.constant 0xFF800000 : f32
    %broadcast_in_dim3A_362 = vector.broadcast %jit3A_361 : f32 to vector<2048x1xf32>
    %select_n3A_363 = arith.select %eq3A_360, %broadcast_in_dim3A_362, %select_n3A_274 : vector<2048x1xi1>, vector<2048x1xf32>
    %max3A_364 = arith.maximumf %select_n3A_321, %select_n3A_327 : vector<2048x1xf32>
    %max3A_365 = arith.maximumf %max3A_364, %select_n3A_333 : vector<2048x1xf32>
    %max3A_366 = arith.maximumf %max3A_365, %select_n3A_339 : vector<2048x1xf32>
    %max3A_367 = arith.maximumf %max3A_366, %select_n3A_345 : vector<2048x1xf32>
    %max3A_368 = arith.maximumf %max3A_367, %select_n3A_351 : vector<2048x1xf32>
    %max3A_369 = arith.maximumf %max3A_368, %select_n3A_357 : vector<2048x1xf32>
    %max3A_370 = arith.maximumf %max3A_369, %select_n3A_363 : vector<2048x1xf32>
    %broadcast_in_dim3A_371 = arith.constant 8.000000e+00 : f32
    %broadcast_in_dim3A_372 = vector.broadcast %broadcast_in_dim3A_371 : f32 to vector<2048x1xf32>
    %eq3A_373 = arith.cmpf oeq, %select_n3A_363, %max3A_370 : vector<2048x1xf32>
    %jit3A_374 = arith.constant 7.000000e+00 : f32
    %broadcast_in_dim3A_375 = vector.broadcast %jit3A_374 : f32 to vector<2048x1xf32>
    %select_n3A_376 = arith.select %eq3A_373, %broadcast_in_dim3A_375, %broadcast_in_dim3A_372 : vector<2048x1xi1>, vector<2048x1xf32>
    %eq3A_377 = arith.cmpf oeq, %select_n3A_357, %max3A_370 : vector<2048x1xf32>
    %jit3A_378 = arith.constant 6.000000e+00 : f32
    %broadcast_in_dim3A_379 = vector.broadcast %jit3A_378 : f32 to vector<2048x1xf32>
    %select_n3A_380 = arith.select %eq3A_377, %broadcast_in_dim3A_379, %select_n3A_376 : vector<2048x1xi1>, vector<2048x1xf32>
    %eq3A_381 = arith.cmpf oeq, %select_n3A_351, %max3A_370 : vector<2048x1xf32>
    %jit3A_382 = arith.constant 5.000000e+00 : f32
    %broadcast_in_dim3A_383 = vector.broadcast %jit3A_382 : f32 to vector<2048x1xf32>
    %select_n3A_384 = arith.select %eq3A_381, %broadcast_in_dim3A_383, %select_n3A_380 : vector<2048x1xi1>, vector<2048x1xf32>
    %eq3A_385 = arith.cmpf oeq, %select_n3A_345, %max3A_370 : vector<2048x1xf32>
    %jit3A_386 = arith.constant 4.000000e+00 : f32
    %broadcast_in_dim3A_387 = vector.broadcast %jit3A_386 : f32 to vector<2048x1xf32>
    %select_n3A_388 = arith.select %eq3A_385, %broadcast_in_dim3A_387, %select_n3A_384 : vector<2048x1xi1>, vector<2048x1xf32>
    %eq3A_389 = arith.cmpf oeq, %select_n3A_339, %max3A_370 : vector<2048x1xf32>
    %jit3A_390 = arith.constant 3.000000e+00 : f32
    %broadcast_in_dim3A_391 = vector.broadcast %jit3A_390 : f32 to vector<2048x1xf32>
    %select_n3A_392 = arith.select %eq3A_389, %broadcast_in_dim3A_391, %select_n3A_388 : vector<2048x1xi1>, vector<2048x1xf32>
    %eq3A_393 = arith.cmpf oeq, %select_n3A_333, %max3A_370 : vector<2048x1xf32>
    %jit3A_394 = arith.constant 2.000000e+00 : f32
    %broadcast_in_dim3A_395 = vector.broadcast %jit3A_394 : f32 to vector<2048x1xf32>
    %select_n3A_396 = arith.select %eq3A_393, %broadcast_in_dim3A_395, %select_n3A_392 : vector<2048x1xi1>, vector<2048x1xf32>
    %eq3A_397 = arith.cmpf oeq, %select_n3A_327, %max3A_370 : vector<2048x1xf32>
    %jit3A_398 = arith.constant 1.000000e+00 : f32
    %broadcast_in_dim3A_399 = vector.broadcast %jit3A_398 : f32 to vector<2048x1xf32>
    %select_n3A_400 = arith.select %eq3A_397, %broadcast_in_dim3A_399, %select_n3A_396 : vector<2048x1xi1>, vector<2048x1xf32>
    %eq3A_401 = arith.cmpf oeq, %select_n3A_321, %max3A_370 : vector<2048x1xf32>
    %jit3A_402 = arith.constant 0.000000e+00 : f32
    %broadcast_in_dim3A_403 = vector.broadcast %jit3A_402 : f32 to vector<2048x1xf32>
    %select_n3A_404 = arith.select %eq3A_401, %broadcast_in_dim3A_403, %select_n3A_400 : vector<2048x1xi1>, vector<2048x1xf32>
    %broadcast_in_dim3A_405 = arith.constant 0.000000e+00 : f32
    %broadcast_in_dim3A_406 = vector.broadcast %broadcast_in_dim3A_405 : f32 to vector<2048x1xf32>
    %eq3A_407 = arith.constant 0.000000e+00 : f32
    %eq3A_408 = vector.broadcast %eq3A_407 : f32 to vector<2048x1xf32>
    %eq3A_409 = arith.cmpf oeq, %select_n3A_315, %eq3A_408 : vector<2048x1xf32>
    %select_n3A_410 = arith.select %eq3A_409, %broadcast_in_dim3A_16, %broadcast_in_dim3A_406 : vector<2048x1xi1>, vector<2048x1xf32>
    %eq3A_411 = arith.constant 1.000000e+00 : f32
    %eq3A_412 = vector.broadcast %eq3A_411 : f32 to vector<2048x1xf32>
    %eq3A_413 = arith.cmpf oeq, %select_n3A_315, %eq3A_412 : vector<2048x1xf32>
    %select_n3A_414 = arith.select %eq3A_413, %broadcast_in_dim3A_25, %select_n3A_410 : vector<2048x1xi1>, vector<2048x1xf32>
    %eq3A_415 = arith.constant 2.000000e+00 : f32
    %eq3A_416 = vector.broadcast %eq3A_415 : f32 to vector<2048x1xf32>
    %eq3A_417 = arith.cmpf oeq, %select_n3A_315, %eq3A_416 : vector<2048x1xf32>
    %select_n3A_418 = arith.select %eq3A_417, %broadcast_in_dim3A_34, %select_n3A_414 : vector<2048x1xi1>, vector<2048x1xf32>
    %eq3A_419 = arith.constant 3.000000e+00 : f32
    %eq3A_420 = vector.broadcast %eq3A_419 : f32 to vector<2048x1xf32>
    %eq3A_421 = arith.cmpf oeq, %select_n3A_315, %eq3A_420 : vector<2048x1xf32>
    %select_n3A_422 = arith.select %eq3A_421, %broadcast_in_dim3A_43, %select_n3A_418 : vector<2048x1xi1>, vector<2048x1xf32>
    %eq3A_423 = arith.constant 4.000000e+00 : f32
    %eq3A_424 = vector.broadcast %eq3A_423 : f32 to vector<2048x1xf32>
    %eq3A_425 = arith.cmpf oeq, %select_n3A_315, %eq3A_424 : vector<2048x1xf32>
    %select_n3A_426 = arith.select %eq3A_425, %broadcast_in_dim3A_52, %select_n3A_422 : vector<2048x1xi1>, vector<2048x1xf32>
    %eq3A_427 = arith.constant 5.000000e+00 : f32
    %eq3A_428 = vector.broadcast %eq3A_427 : f32 to vector<2048x1xf32>
    %eq3A_429 = arith.cmpf oeq, %select_n3A_315, %eq3A_428 : vector<2048x1xf32>
    %select_n3A_430 = arith.select %eq3A_429, %broadcast_in_dim3A_61, %select_n3A_426 : vector<2048x1xi1>, vector<2048x1xf32>
    %eq3A_431 = arith.constant 6.000000e+00 : f32
    %eq3A_432 = vector.broadcast %eq3A_431 : f32 to vector<2048x1xf32>
    %eq3A_433 = arith.cmpf oeq, %select_n3A_315, %eq3A_432 : vector<2048x1xf32>
    %select_n3A_434 = arith.select %eq3A_433, %broadcast_in_dim3A_70, %select_n3A_430 : vector<2048x1xi1>, vector<2048x1xf32>
    %eq3A_435 = arith.constant 7.000000e+00 : f32
    %eq3A_436 = vector.broadcast %eq3A_435 : f32 to vector<2048x1xf32>
    %eq3A_437 = arith.cmpf oeq, %select_n3A_315, %eq3A_436 : vector<2048x1xf32>
    %select_n3A_438 = arith.select %eq3A_437, %broadcast_in_dim3A_79, %select_n3A_434 : vector<2048x1xi1>, vector<2048x1xf32>
    %broadcast_in_dim3A_439 = arith.constant 0.000000e+00 : f32
    %broadcast_in_dim3A_440 = vector.broadcast %broadcast_in_dim3A_439 : f32 to vector<2048x1xf32>
    %eq3A_441 = arith.constant 0.000000e+00 : f32
    %eq3A_442 = vector.broadcast %eq3A_441 : f32 to vector<2048x1xf32>
    %eq3A_443 = arith.cmpf oeq, %select_n3A_404, %eq3A_442 : vector<2048x1xf32>
    %select_n3A_444 = arith.select %eq3A_443, %broadcast_in_dim3A_16, %broadcast_in_dim3A_440 : vector<2048x1xi1>, vector<2048x1xf32>
    %eq3A_445 = arith.constant 1.000000e+00 : f32
    %eq3A_446 = vector.broadcast %eq3A_445 : f32 to vector<2048x1xf32>
    %eq3A_447 = arith.cmpf oeq, %select_n3A_404, %eq3A_446 : vector<2048x1xf32>
    %select_n3A_448 = arith.select %eq3A_447, %broadcast_in_dim3A_25, %select_n3A_444 : vector<2048x1xi1>, vector<2048x1xf32>
    %eq3A_449 = arith.constant 2.000000e+00 : f32
    %eq3A_450 = vector.broadcast %eq3A_449 : f32 to vector<2048x1xf32>
    %eq3A_451 = arith.cmpf oeq, %select_n3A_404, %eq3A_450 : vector<2048x1xf32>
    %select_n3A_452 = arith.select %eq3A_451, %broadcast_in_dim3A_34, %select_n3A_448 : vector<2048x1xi1>, vector<2048x1xf32>
    %eq3A_453 = arith.constant 3.000000e+00 : f32
    %eq3A_454 = vector.broadcast %eq3A_453 : f32 to vector<2048x1xf32>
    %eq3A_455 = arith.cmpf oeq, %select_n3A_404, %eq3A_454 : vector<2048x1xf32>
    %select_n3A_456 = arith.select %eq3A_455, %broadcast_in_dim3A_43, %select_n3A_452 : vector<2048x1xi1>, vector<2048x1xf32>
    %eq3A_457 = arith.constant 4.000000e+00 : f32
    %eq3A_458 = vector.broadcast %eq3A_457 : f32 to vector<2048x1xf32>
    %eq3A_459 = arith.cmpf oeq, %select_n3A_404, %eq3A_458 : vector<2048x1xf32>
    %select_n3A_460 = arith.select %eq3A_459, %broadcast_in_dim3A_52, %select_n3A_456 : vector<2048x1xi1>, vector<2048x1xf32>
    %eq3A_461 = arith.constant 5.000000e+00 : f32
    %eq3A_462 = vector.broadcast %eq3A_461 : f32 to vector<2048x1xf32>
    %eq3A_463 = arith.cmpf oeq, %select_n3A_404, %eq3A_462 : vector<2048x1xf32>
    %select_n3A_464 = arith.select %eq3A_463, %broadcast_in_dim3A_61, %select_n3A_460 : vector<2048x1xi1>, vector<2048x1xf32>
    %eq3A_465 = arith.constant 6.000000e+00 : f32
    %eq3A_466 = vector.broadcast %eq3A_465 : f32 to vector<2048x1xf32>
    %eq3A_467 = arith.cmpf oeq, %select_n3A_404, %eq3A_466 : vector<2048x1xf32>
    %select_n3A_468 = arith.select %eq3A_467, %broadcast_in_dim3A_70, %select_n3A_464 : vector<2048x1xi1>, vector<2048x1xf32>
    %eq3A_469 = arith.constant 7.000000e+00 : f32
    %eq3A_470 = vector.broadcast %eq3A_469 : f32 to vector<2048x1xf32>
    %eq3A_471 = arith.cmpf oeq, %select_n3A_404, %eq3A_470 : vector<2048x1xf32>
    %select_n3A_472 = arith.select %eq3A_471, %broadcast_in_dim3A_79, %select_n3A_468 : vector<2048x1xi1>, vector<2048x1xf32>
    %add3A_473 = arith.addf %select_n3A_438, %select_n3A_472 : vector<2048x1xf32>
    %div3A_474 = arith.divf %select_n3A_438, %add3A_473 : vector<2048x1xf32>
    %swap3A = arith.constant 0 : index
    %swap3A_475 = arith.constant 0 : index
    %swap3A_476 = vector.load %arg5[%swap3A, %swap3A_475] : memref<2048x1xf32, #tpu.memory_space<vmem>>, vector<2048x1xf32>
    tpu.vector_store %arg5[%swap3A, %swap3A_475], %div3A_474 {strides = array<i32>} : memref<2048x1xf32, #tpu.memory_space<vmem>>, vector<2048x1xf32>,
    %div3A_477 = arith.divf %select_n3A_472, %add3A_473 : vector<2048x1xf32>
    %swap3A_478 = arith.constant 0 : index
    %swap3A_479 = arith.constant 0 : index
    %swap3A_480 = vector.load %arg6[%swap3A_478, %swap3A_479] : memref<2048x1xf32, #tpu.memory_space<vmem>>, vector<2048x1xf32>
    tpu.vector_store %arg6[%swap3A_478, %swap3A_479], %div3A_477 {strides = array<i32>} : memref<2048x1xf32, #tpu.memory_space<vmem>>, vector<2048x1xf32>,
    %convert_element_type3A = arith.sitofp %iota3A : vector<2048x8xi32> to vector<2048x8xf32>
    %eq3A_481 = vector.broadcast %select_n3A_315 : vector<2048x1xf32> to vector<2048x8xf32>
    %eq3A_482 = arith.cmpf oeq, %convert_element_type3A, %eq3A_481 : vector<2048x8xf32>
    %jit3A_483 = arith.constant 1.000000e+00 : f32
    %jit3A_484 = arith.constant 0.000000e+00 : f32
    %broadcast_in_dim3A_485 = vector.broadcast %jit3A_483 : f32 to vector<2048x8xf32>
    %broadcast_in_dim3A_486 = vector.broadcast %jit3A_484 : f32 to vector<2048x8xf32>
    %select_n3A_487 = arith.select %eq3A_482, %broadcast_in_dim3A_485, %broadcast_in_dim3A_486 : vector<2048x8xi1>, vector<2048x8xf32>
    %eq3A_488 = vector.broadcast %select_n3A_404 : vector<2048x1xf32> to vector<2048x8xf32>
    %eq3A_489 = arith.cmpf oeq, %convert_element_type3A, %eq3A_488 : vector<2048x8xf32>
    %jit3A_490 = arith.constant 1.000000e+00 : f32
    %jit3A_491 = arith.constant 0.000000e+00 : f32
    %broadcast_in_dim3A_492 = vector.broadcast %jit3A_490 : f32 to vector<2048x8xf32>
    %broadcast_in_dim3A_493 = vector.broadcast %jit3A_491 : f32 to vector<2048x8xf32>
    %select_n3A_494 = arith.select %eq3A_489, %broadcast_in_dim3A_492, %broadcast_in_dim3A_493 : vector<2048x8xi1>, vector<2048x8xf32>
    %add3A_495 = arith.addf %select_n3A_487, %select_n3A_494 : vector<2048x8xf32>
    %iota3A_496 = tpu.iota {dimensions = array<i32: 0>} : vector<2048x2048xi32>
    %iota3A_497 = tpu.iota {dimensions = array<i32: 1>} : vector<2048x2048xi32>
    %ge3A = arith.cmpi sge, %iota3A_496, %iota3A_497 : vector<2048x2048xi32>
    %jit3A_498 = arith.constant 1.000000e+00 : f32
    %jit3A_499 = arith.constant 0.000000e+00 : f32
    %broadcast_in_dim3A_500 = vector.broadcast %jit3A_498 : f32 to vector<2048x2048xf32>
    %broadcast_in_dim3A_501 = vector.broadcast %jit3A_499 : f32 to vector<2048x2048xf32>
    %select_n3A_502 = arith.select %ge3A, %broadcast_in_dim3A_500, %broadcast_in_dim3A_501 : vector<2048x2048xi1>, vector<2048x2048xf32>
    %dot_general3A_503 = arith.constant dense<0.000000e+00> : vector<2048x8xf32>
    %dot_general3A_504 = tpu.matmul %select_n3A_502, %add3A_495, %dot_general3A_503 {dimension_numbers = #tpu.dot_dimension_numbers<[1], [0], [0], [1], [0, 0, 1, 1], [], []>, transpose_lhs_hint = false} : vector<2048x2048xf32>, vector<2048x8xf32>, vector<2048x8xf32> -> vector<2048x8xf32>
    %sub3A_505 = arith.subf %dot_general3A_504, %add3A_495 : vector<2048x8xf32>
    %eq3A_506 = vector.broadcast %select_n3A_315 : vector<2048x1xf32> to vector<2048x8xf32>
    %eq3A_507 = arith.cmpf oeq, %convert_element_type3A, %eq3A_506 : vector<2048x8xf32>
    %jit3A_508 = arith.constant 0.000000e+00 : f32
    %broadcast_in_dim3A_509 = vector.broadcast %jit3A_508 : f32 to vector<2048x8xf32>
    %select_n3A_510 = arith.select %eq3A_507, %sub3A_505, %broadcast_in_dim3A_509 : vector<2048x8xi1>, vector<2048x8xf32>
    %reduce_sum3A_511 = arith.constant dense<0.000000e+00> : vector<2048xf32>
    %reduce_sum3A_512 = vector.multi_reduction <add>, %select_n3A_510, %reduce_sum3A_511 [1] : vector<2048x8xf32> to vector<2048xf32>
    %broadcast_in_dim3A_513 = vector.shape_cast %reduce_sum3A_512 : vector<2048xf32> to vector<2048x1xf32>
    %eq3A_514 = vector.broadcast %select_n3A_404 : vector<2048x1xf32> to vector<2048x8xf32>
    %eq3A_515 = arith.cmpf oeq, %convert_element_type3A, %eq3A_514 : vector<2048x8xf32>
    %jit3A_516 = arith.constant 0.000000e+00 : f32
    %broadcast_in_dim3A_517 = vector.broadcast %jit3A_516 : f32 to vector<2048x8xf32>
    %select_n3A_518 = arith.select %eq3A_515, %sub3A_505, %broadcast_in_dim3A_517 : vector<2048x8xi1>, vector<2048x8xf32>
    %reduce_sum3A_519 = arith.constant dense<0.000000e+00> : vector<2048xf32>
    %reduce_sum3A_520 = vector.multi_reduction <add>, %select_n3A_518, %reduce_sum3A_519 [1] : vector<2048x8xf32> to vector<2048xf32>
    %broadcast_in_dim3A_521 = vector.shape_cast %reduce_sum3A_520 : vector<2048xf32> to vector<2048x1xf32>
    %mul3A = arith.constant 2.048000e+03 : f32
    %mul3A_522 = vector.broadcast %mul3A : f32 to vector<2048x1xf32>
    %mul3A_523 = arith.mulf %select_n3A_315, %mul3A_522 : vector<2048x1xf32>
    %add3A_524 = arith.addf %mul3A_523, %broadcast_in_dim3A_513 : vector<2048x1xf32>
    %convert_element_type3A_525 = arith.fptosi %add3A_524 : vector<2048x1xf32> to vector<2048x1xi32>
    %swap3A_526 = arith.constant 0 : index
    %swap3A_527 = arith.constant 0 : index
    %swap3A_528 = vector.load %arg3[%swap3A_526, %swap3A_527] : memref<2048x1xi32, #tpu.memory_space<vmem>>, vector<2048x1xi32>
    tpu.vector_store %arg3[%swap3A_526, %swap3A_527], %convert_element_type3A_525 {strides = array<i32>} : memref<2048x1xi32, #tpu.memory_space<vmem>>, vector<2048x1xi32>,
    %mul3A_529 = arith.constant 2.048000e+03 : f32
    %mul3A_530 = vector.broadcast %mul3A_529 : f32 to vector<2048x1xf32>
    %mul3A_531 = arith.mulf %select_n3A_404, %mul3A_530 : vector<2048x1xf32>
    %add3A_532 = arith.addf %mul3A_531, %broadcast_in_dim3A_521 : vector<2048x1xf32>
    %convert_element_type3A_533 = arith.fptosi %add3A_532 : vector<2048x1xf32> to vector<2048x1xi32>
    %swap3A_534 = arith.constant 0 : index
    %swap3A_535 = arith.constant 0 : index
    %swap3A_536 = vector.load %arg4[%swap3A_534, %swap3A_535] : memref<2048x1xi32, #tpu.memory_space<vmem>>, vector<2048x1xi32>
    tpu.vector_store %arg4[%swap3A_534, %swap3A_535], %convert_element_type3A_533 {strides = array<i32>} : memref<2048x1xi32, #tpu.memory_space<vmem>>, vector<2048x1xi32>,
    %reduce_sum3A_537 = arith.constant dense<0.000000e+00> : vector<8xf32>
    %reduce_sum3A_538 = vector.multi_reduction <add>, %add3A_495, %reduce_sum3A_537 [0] : vector<2048x8xf32> to vector<8xf32>
    %broadcast_in_dim3A_539 = vector.shape_cast %reduce_sum3A_538 : vector<8xf32> to vector<1x8xf32>
    %convert_element_type3A_540 = arith.fptosi %broadcast_in_dim3A_539 : vector<1x8xf32> to vector<1x8xi32>
    %swap3A_541 = arith.constant 0 : index
    %swap3A_542 = arith.constant 0 : index
    %swap3A_543 = vector.load %arg7[%swap3A_541, %swap3A_542] : memref<1x8xi32, #tpu.memory_space<vmem>>, vector<1x8xi32>
    tpu.vector_store %arg7[%swap3A_541, %swap3A_542], %convert_element_type3A_540 {strides = array<i32>} : memref<1x8xi32, #tpu.memory_space<vmem>>, vector<1x8xi32>,
    %slice3A = vector.extract_strided_slice %iota3A {offsets = [0, 0], sizes = [1, 8], strides = [1, 1]} : vector<2048x8xi32> to vector<1x8xi32>
    %eq3A_544 = arith.constant 0 : i32
    %eq3A_545 = vector.broadcast %eq3A_544 : i32 to vector<1x8xi32>
    %eq3A_546 = arith.cmpi eq, %slice3A, %eq3A_545 : vector<1x8xi32>
    %jit3A_547 = arith.constant 0.000000e+00 : f32
    %broadcast_in_dim3A_548 = vector.broadcast %jit3A_547 : f32 to vector<1x8xf32>
    %select_n3A_549 = arith.select %eq3A_546, %broadcast_in_dim3A_539, %broadcast_in_dim3A_548 : vector<1x8xi1>, vector<1x8xf32>
    %reduce_sum3A_550 = arith.constant dense<0.000000e+00> : vector<1xf32>
    %reduce_sum3A_551 = vector.multi_reduction <add>, %select_n3A_549, %reduce_sum3A_550 [1] : vector<1x8xf32> to vector<1xf32>
    %broadcast_in_dim3A_552 = vector.shape_cast %reduce_sum3A_551 : vector<1xf32> to vector<1x1xf32>
    %slice3A_553 = vector.extract_strided_slice %iota3A {offsets = [0, 0], sizes = [1, 8], strides = [1, 1]} : vector<2048x8xi32> to vector<1x8xi32>
    %eq3A_554 = arith.constant 1 : i32
    %eq3A_555 = vector.broadcast %eq3A_554 : i32 to vector<1x8xi32>
    %eq3A_556 = arith.cmpi eq, %slice3A_553, %eq3A_555 : vector<1x8xi32>
    %jit3A_557 = arith.constant 0.000000e+00 : f32
    %broadcast_in_dim3A_558 = vector.broadcast %jit3A_557 : f32 to vector<1x8xf32>
    %select_n3A_559 = arith.select %eq3A_556, %broadcast_in_dim3A_539, %broadcast_in_dim3A_558 : vector<1x8xi1>, vector<1x8xf32>
    %reduce_sum3A_560 = arith.constant dense<0.000000e+00> : vector<1xf32>
    %reduce_sum3A_561 = vector.multi_reduction <add>, %select_n3A_559, %reduce_sum3A_560 [1] : vector<1x8xf32> to vector<1xf32>
    %broadcast_in_dim3A_562 = vector.shape_cast %reduce_sum3A_561 : vector<1xf32> to vector<1x1xf32>
    %slice3A_563 = vector.extract_strided_slice %iota3A {offsets = [0, 0], sizes = [1, 8], strides = [1, 1]} : vector<2048x8xi32> to vector<1x8xi32>
    %eq3A_564 = arith.constant 2 : i32
    %eq3A_565 = vector.broadcast %eq3A_564 : i32 to vector<1x8xi32>
    %eq3A_566 = arith.cmpi eq, %slice3A_563, %eq3A_565 : vector<1x8xi32>
    %jit3A_567 = arith.constant 0.000000e+00 : f32
    %broadcast_in_dim3A_568 = vector.broadcast %jit3A_567 : f32 to vector<1x8xf32>
    %select_n3A_569 = arith.select %eq3A_566, %broadcast_in_dim3A_539, %broadcast_in_dim3A_568 : vector<1x8xi1>, vector<1x8xf32>
    %reduce_sum3A_570 = arith.constant dense<0.000000e+00> : vector<1xf32>
    %reduce_sum3A_571 = vector.multi_reduction <add>, %select_n3A_569, %reduce_sum3A_570 [1] : vector<1x8xf32> to vector<1xf32>
    %broadcast_in_dim3A_572 = vector.shape_cast %reduce_sum3A_571 : vector<1xf32> to vector<1x1xf32>
    %slice3A_573 = vector.extract_strided_slice %iota3A {offsets = [0, 0], sizes = [1, 8], strides = [1, 1]} : vector<2048x8xi32> to vector<1x8xi32>
    %eq3A_574 = arith.constant 3 : i32
    %eq3A_575 = vector.broadcast %eq3A_574 : i32 to vector<1x8xi32>
    %eq3A_576 = arith.cmpi eq, %slice3A_573, %eq3A_575 : vector<1x8xi32>
    %jit3A_577 = arith.constant 0.000000e+00 : f32
    %broadcast_in_dim3A_578 = vector.broadcast %jit3A_577 : f32 to vector<1x8xf32>
    %select_n3A_579 = arith.select %eq3A_576, %broadcast_in_dim3A_539, %broadcast_in_dim3A_578 : vector<1x8xi1>, vector<1x8xf32>
    %reduce_sum3A_580 = arith.constant dense<0.000000e+00> : vector<1xf32>
    %reduce_sum3A_581 = vector.multi_reduction <add>, %select_n3A_579, %reduce_sum3A_580 [1] : vector<1x8xf32> to vector<1xf32>
    %broadcast_in_dim3A_582 = vector.shape_cast %reduce_sum3A_581 : vector<1xf32> to vector<1x1xf32>
    %slice3A_583 = vector.extract_strided_slice %iota3A {offsets = [0, 0], sizes = [1, 8], strides = [1, 1]} : vector<2048x8xi32> to vector<1x8xi32>
    %eq3A_584 = arith.constant 4 : i32
    %eq3A_585 = vector.broadcast %eq3A_584 : i32 to vector<1x8xi32>
    %eq3A_586 = arith.cmpi eq, %slice3A_583, %eq3A_585 : vector<1x8xi32>
    %jit3A_587 = arith.constant 0.000000e+00 : f32
    %broadcast_in_dim3A_588 = vector.broadcast %jit3A_587 : f32 to vector<1x8xf32>
    %select_n3A_589 = arith.select %eq3A_586, %broadcast_in_dim3A_539, %broadcast_in_dim3A_588 : vector<1x8xi1>, vector<1x8xf32>
    %reduce_sum3A_590 = arith.constant dense<0.000000e+00> : vector<1xf32>
    %reduce_sum3A_591 = vector.multi_reduction <add>, %select_n3A_589, %reduce_sum3A_590 [1] : vector<1x8xf32> to vector<1xf32>
    %broadcast_in_dim3A_592 = vector.shape_cast %reduce_sum3A_591 : vector<1xf32> to vector<1x1xf32>
    %slice3A_593 = vector.extract_strided_slice %iota3A {offsets = [0, 0], sizes = [1, 8], strides = [1, 1]} : vector<2048x8xi32> to vector<1x8xi32>
    %eq3A_594 = arith.constant 5 : i32
    %eq3A_595 = vector.broadcast %eq3A_594 : i32 to vector<1x8xi32>
    %eq3A_596 = arith.cmpi eq, %slice3A_593, %eq3A_595 : vector<1x8xi32>
    %jit3A_597 = arith.constant 0.000000e+00 : f32
    %broadcast_in_dim3A_598 = vector.broadcast %jit3A_597 : f32 to vector<1x8xf32>
    %select_n3A_599 = arith.select %eq3A_596, %broadcast_in_dim3A_539, %broadcast_in_dim3A_598 : vector<1x8xi1>, vector<1x8xf32>
    %reduce_sum3A_600 = arith.constant dense<0.000000e+00> : vector<1xf32>
    %reduce_sum3A_601 = vector.multi_reduction <add>, %select_n3A_599, %reduce_sum3A_600 [1] : vector<1x8xf32> to vector<1xf32>
    %broadcast_in_dim3A_602 = vector.shape_cast %reduce_sum3A_601 : vector<1xf32> to vector<1x1xf32>
    %slice3A_603 = vector.extract_strided_slice %iota3A {offsets = [0, 0], sizes = [1, 8], strides = [1, 1]} : vector<2048x8xi32> to vector<1x8xi32>
    %eq3A_604 = arith.constant 6 : i32
    %eq3A_605 = vector.broadcast %eq3A_604 : i32 to vector<1x8xi32>
    %eq3A_606 = arith.cmpi eq, %slice3A_603, %eq3A_605 : vector<1x8xi32>
    %jit3A_607 = arith.constant 0.000000e+00 : f32
    %broadcast_in_dim3A_608 = vector.broadcast %jit3A_607 : f32 to vector<1x8xf32>
    %select_n3A_609 = arith.select %eq3A_606, %broadcast_in_dim3A_539, %broadcast_in_dim3A_608 : vector<1x8xi1>, vector<1x8xf32>
    %reduce_sum3A_610 = arith.constant dense<0.000000e+00> : vector<1xf32>
    %reduce_sum3A_611 = vector.multi_reduction <add>, %select_n3A_609, %reduce_sum3A_610 [1] : vector<1x8xf32> to vector<1xf32>
    %broadcast_in_dim3A_612 = vector.shape_cast %reduce_sum3A_611 : vector<1xf32> to vector<1x1xf32>
    %slice3A_613 = vector.extract_strided_slice %iota3A {offsets = [0, 0], sizes = [1, 8], strides = [1, 1]} : vector<2048x8xi32> to vector<1x8xi32>
    %eq3A_614 = arith.constant 7 : i32
    %eq3A_615 = vector.broadcast %eq3A_614 : i32 to vector<1x8xi32>
    %eq3A_616 = arith.cmpi eq, %slice3A_613, %eq3A_615 : vector<1x8xi32>
    %jit3A_617 = arith.constant 0.000000e+00 : f32
    %broadcast_in_dim3A_618 = vector.broadcast %jit3A_617 : f32 to vector<1x8xf32>
    %select_n3A_619 = arith.select %eq3A_616, %broadcast_in_dim3A_539, %broadcast_in_dim3A_618 : vector<1x8xi1>, vector<1x8xf32>
    %reduce_sum3A_620 = arith.constant dense<0.000000e+00> : vector<1xf32>
    %reduce_sum3A_621 = vector.multi_reduction <add>, %select_n3A_619, %reduce_sum3A_620 [1] : vector<1x8xf32> to vector<1xf32>
    %broadcast_in_dim3A_622 = vector.shape_cast %reduce_sum3A_621 : vector<1xf32> to vector<1x1xf32>
    %add3A_623 = arith.constant 5.110000e+02 : f32
    %add3A_624 = vector.broadcast %add3A_623 : f32 to vector<1x1xf32>
    %add3A_625 = arith.addf %broadcast_in_dim3A_552, %add3A_624 : vector<1x1xf32>
    %div3A_626 = arith.constant 5.120000e+02 : f32
    %div3A_627 = vector.broadcast %div3A_626 : f32 to vector<1x1xf32>
    %div3A_628 = arith.divf %add3A_625, %div3A_627 : vector<1x1xf32>
    %floor3A = math.floor %div3A_628 : vector<1x1xf32>
    %add3A_629 = arith.constant 5.110000e+02 : f32
    %add3A_630 = vector.broadcast %add3A_629 : f32 to vector<1x1xf32>
    %add3A_631 = arith.addf %broadcast_in_dim3A_562, %add3A_630 : vector<1x1xf32>
    %div3A_632 = arith.constant 5.120000e+02 : f32
    %div3A_633 = vector.broadcast %div3A_632 : f32 to vector<1x1xf32>
    %div3A_634 = arith.divf %add3A_631, %div3A_633 : vector<1x1xf32>
    %floor3A_635 = math.floor %div3A_634 : vector<1x1xf32>
    %add3A_636 = arith.constant 5.110000e+02 : f32
    %add3A_637 = vector.broadcast %add3A_636 : f32 to vector<1x1xf32>
    %add3A_638 = arith.addf %broadcast_in_dim3A_572, %add3A_637 : vector<1x1xf32>
    %div3A_639 = arith.constant 5.120000e+02 : f32
    %div3A_640 = vector.broadcast %div3A_639 : f32 to vector<1x1xf32>
    %div3A_641 = arith.divf %add3A_638, %div3A_640 : vector<1x1xf32>
    %floor3A_642 = math.floor %div3A_641 : vector<1x1xf32>
    %add3A_643 = arith.constant 5.110000e+02 : f32
    %add3A_644 = vector.broadcast %add3A_643 : f32 to vector<1x1xf32>
    %add3A_645 = arith.addf %broadcast_in_dim3A_582, %add3A_644 : vector<1x1xf32>
    %div3A_646 = arith.constant 5.120000e+02 : f32
    %div3A_647 = vector.broadcast %div3A_646 : f32 to vector<1x1xf32>
    %div3A_648 = arith.divf %add3A_645, %div3A_647 : vector<1x1xf32>
    %floor3A_649 = math.floor %div3A_648 : vector<1x1xf32>
    %add3A_650 = arith.constant 5.110000e+02 : f32
    %add3A_651 = vector.broadcast %add3A_650 : f32 to vector<1x1xf32>
    %add3A_652 = arith.addf %broadcast_in_dim3A_592, %add3A_651 : vector<1x1xf32>
    %div3A_653 = arith.constant 5.120000e+02 : f32
    %div3A_654 = vector.broadcast %div3A_653 : f32 to vector<1x1xf32>
    %div3A_655 = arith.divf %add3A_652, %div3A_654 : vector<1x1xf32>
    %floor3A_656 = math.floor %div3A_655 : vector<1x1xf32>
    %add3A_657 = arith.constant 5.110000e+02 : f32
    %add3A_658 = vector.broadcast %add3A_657 : f32 to vector<1x1xf32>
    %add3A_659 = arith.addf %broadcast_in_dim3A_602, %add3A_658 : vector<1x1xf32>
    %div3A_660 = arith.constant 5.120000e+02 : f32
    %div3A_661 = vector.broadcast %div3A_660 : f32 to vector<1x1xf32>
    %div3A_662 = arith.divf %add3A_659, %div3A_661 : vector<1x1xf32>
    %floor3A_663 = math.floor %div3A_662 : vector<1x1xf32>
    %add3A_664 = arith.constant 5.110000e+02 : f32
    %add3A_665 = vector.broadcast %add3A_664 : f32 to vector<1x1xf32>
    %add3A_666 = arith.addf %broadcast_in_dim3A_612, %add3A_665 : vector<1x1xf32>
    %div3A_667 = arith.constant 5.120000e+02 : f32
    %div3A_668 = vector.broadcast %div3A_667 : f32 to vector<1x1xf32>
    %div3A_669 = arith.divf %add3A_666, %div3A_668 : vector<1x1xf32>
    %floor3A_670 = math.floor %div3A_669 : vector<1x1xf32>
    %add3A_671 = arith.constant 5.110000e+02 : f32
    %add3A_672 = vector.broadcast %add3A_671 : f32 to vector<1x1xf32>
    %add3A_673 = arith.addf %broadcast_in_dim3A_622, %add3A_672 : vector<1x1xf32>
    %div3A_674 = arith.constant 5.120000e+02 : f32
    %div3A_675 = vector.broadcast %div3A_674 : f32 to vector<1x1xf32>
    %div3A_676 = arith.divf %add3A_673, %div3A_675 : vector<1x1xf32>
    %floor3A_677 = math.floor %div3A_676 : vector<1x1xf32>
    %broadcast_in_dim3A_678 = arith.constant 0.000000e+00 : f32
    %broadcast_in_dim3A_679 = vector.broadcast %broadcast_in_dim3A_678 : f32 to vector<1x1xf32>
    %add3A_680 = arith.addf %broadcast_in_dim3A_679, %floor3A : vector<1x1xf32>
    %add3A_681 = arith.addf %add3A_680, %floor3A_635 : vector<1x1xf32>
    %add3A_682 = arith.addf %add3A_681, %floor3A_642 : vector<1x1xf32>
    %add3A_683 = arith.addf %add3A_682, %floor3A_649 : vector<1x1xf32>
    %add3A_684 = arith.addf %add3A_683, %floor3A_656 : vector<1x1xf32>
    %add3A_685 = arith.addf %add3A_684, %floor3A_663 : vector<1x1xf32>
    %add3A_686 = arith.addf %add3A_685, %floor3A_670 : vector<1x1xf32>
    %add3A_687 = arith.addf %add3A_686, %floor3A_677 : vector<1x1xf32>
    %iota3A_688 = tpu.iota {dimensions = array<i32: 0>} : vector<16x1xi32>
    %convert_element_type3A_689 = arith.sitofp %iota3A_688 : vector<16x1xi32> to vector<16x1xf32>
    %broadcast_in_dim3A_690 = arith.constant 0.000000e+00 : f32
    %broadcast_in_dim3A_691 = vector.broadcast %broadcast_in_dim3A_690 : f32 to vector<16x1xf32>
    %ge3A_692 = vector.broadcast %add3A_680 : vector<1x1xf32> to vector<16x1xf32>
    %ge3A_693 = arith.cmpf oge, %convert_element_type3A_689, %ge3A_692 : vector<16x1xf32>
    %jit3A_694 = arith.constant 1.000000e+00 : f32
    %jit3A_695 = arith.constant 0.000000e+00 : f32
    %broadcast_in_dim3A_696 = vector.broadcast %jit3A_694 : f32 to vector<16x1xf32>
    %broadcast_in_dim3A_697 = vector.broadcast %jit3A_695 : f32 to vector<16x1xf32>
    %select_n3A_698 = arith.select %ge3A_693, %broadcast_in_dim3A_696, %broadcast_in_dim3A_697 : vector<16x1xi1>, vector<16x1xf32>
    %add3A_699 = arith.addf %broadcast_in_dim3A_691, %select_n3A_698 : vector<16x1xf32>
    %ge3A_700 = vector.broadcast %add3A_681 : vector<1x1xf32> to vector<16x1xf32>
    %ge3A_701 = arith.cmpf oge, %convert_element_type3A_689, %ge3A_700 : vector<16x1xf32>
    %jit3A_702 = arith.constant 1.000000e+00 : f32
    %jit3A_703 = arith.constant 0.000000e+00 : f32
    %broadcast_in_dim3A_704 = vector.broadcast %jit3A_702 : f32 to vector<16x1xf32>
    %broadcast_in_dim3A_705 = vector.broadcast %jit3A_703 : f32 to vector<16x1xf32>
    %select_n3A_706 = arith.select %ge3A_701, %broadcast_in_dim3A_704, %broadcast_in_dim3A_705 : vector<16x1xi1>, vector<16x1xf32>
    %add3A_707 = arith.addf %add3A_699, %select_n3A_706 : vector<16x1xf32>
    %ge3A_708 = vector.broadcast %add3A_682 : vector<1x1xf32> to vector<16x1xf32>
    %ge3A_709 = arith.cmpf oge, %convert_element_type3A_689, %ge3A_708 : vector<16x1xf32>
    %jit3A_710 = arith.constant 1.000000e+00 : f32
    %jit3A_711 = arith.constant 0.000000e+00 : f32
    %broadcast_in_dim3A_712 = vector.broadcast %jit3A_710 : f32 to vector<16x1xf32>
    %broadcast_in_dim3A_713 = vector.broadcast %jit3A_711 : f32 to vector<16x1xf32>
    %select_n3A_714 = arith.select %ge3A_709, %broadcast_in_dim3A_712, %broadcast_in_dim3A_713 : vector<16x1xi1>, vector<16x1xf32>
    %add3A_715 = arith.addf %add3A_707, %select_n3A_714 : vector<16x1xf32>
    %ge3A_716 = vector.broadcast %add3A_683 : vector<1x1xf32> to vector<16x1xf32>
    %ge3A_717 = arith.cmpf oge, %convert_element_type3A_689, %ge3A_716 : vector<16x1xf32>
    %jit3A_718 = arith.constant 1.000000e+00 : f32
    %jit3A_719 = arith.constant 0.000000e+00 : f32
    %broadcast_in_dim3A_720 = vector.broadcast %jit3A_718 : f32 to vector<16x1xf32>
    %broadcast_in_dim3A_721 = vector.broadcast %jit3A_719 : f32 to vector<16x1xf32>
    %select_n3A_722 = arith.select %ge3A_717, %broadcast_in_dim3A_720, %broadcast_in_dim3A_721 : vector<16x1xi1>, vector<16x1xf32>
    %add3A_723 = arith.addf %add3A_715, %select_n3A_722 : vector<16x1xf32>
    %ge3A_724 = vector.broadcast %add3A_684 : vector<1x1xf32> to vector<16x1xf32>
    %ge3A_725 = arith.cmpf oge, %convert_element_type3A_689, %ge3A_724 : vector<16x1xf32>
    %jit3A_726 = arith.constant 1.000000e+00 : f32
    %jit3A_727 = arith.constant 0.000000e+00 : f32
    %broadcast_in_dim3A_728 = vector.broadcast %jit3A_726 : f32 to vector<16x1xf32>
    %broadcast_in_dim3A_729 = vector.broadcast %jit3A_727 : f32 to vector<16x1xf32>
    %select_n3A_730 = arith.select %ge3A_725, %broadcast_in_dim3A_728, %broadcast_in_dim3A_729 : vector<16x1xi1>, vector<16x1xf32>
    %add3A_731 = arith.addf %add3A_723, %select_n3A_730 : vector<16x1xf32>
    %ge3A_732 = vector.broadcast %add3A_685 : vector<1x1xf32> to vector<16x1xf32>
    %ge3A_733 = arith.cmpf oge, %convert_element_type3A_689, %ge3A_732 : vector<16x1xf32>
    %jit3A_734 = arith.constant 1.000000e+00 : f32
    %jit3A_735 = arith.constant 0.000000e+00 : f32
    %broadcast_in_dim3A_736 = vector.broadcast %jit3A_734 : f32 to vector<16x1xf32>
    %broadcast_in_dim3A_737 = vector.broadcast %jit3A_735 : f32 to vector<16x1xf32>
    %select_n3A_738 = arith.select %ge3A_733, %broadcast_in_dim3A_736, %broadcast_in_dim3A_737 : vector<16x1xi1>, vector<16x1xf32>
    %add3A_739 = arith.addf %add3A_731, %select_n3A_738 : vector<16x1xf32>
    %ge3A_740 = vector.broadcast %add3A_686 : vector<1x1xf32> to vector<16x1xf32>
    %ge3A_741 = arith.cmpf oge, %convert_element_type3A_689, %ge3A_740 : vector<16x1xf32>
    %jit3A_742 = arith.constant 1.000000e+00 : f32
    %jit3A_743 = arith.constant 0.000000e+00 : f32
    %broadcast_in_dim3A_744 = vector.broadcast %jit3A_742 : f32 to vector<16x1xf32>
    %broadcast_in_dim3A_745 = vector.broadcast %jit3A_743 : f32 to vector<16x1xf32>
    %select_n3A_746 = arith.select %ge3A_741, %broadcast_in_dim3A_744, %broadcast_in_dim3A_745 : vector<16x1xi1>, vector<16x1xf32>
    %add3A_747 = arith.addf %add3A_739, %select_n3A_746 : vector<16x1xf32>
    %ge3A_748 = vector.broadcast %add3A_687 : vector<1x1xf32> to vector<16x1xf32>
    %ge3A_749 = arith.cmpf oge, %convert_element_type3A_689, %ge3A_748 : vector<16x1xf32>
    %jit3A_750 = arith.constant 1.000000e+00 : f32
    %jit3A_751 = arith.constant 0.000000e+00 : f32
    %broadcast_in_dim3A_752 = vector.broadcast %jit3A_750 : f32 to vector<16x1xf32>
    %broadcast_in_dim3A_753 = vector.broadcast %jit3A_751 : f32 to vector<16x1xf32>
    %select_n3A_754 = arith.select %ge3A_749, %broadcast_in_dim3A_752, %broadcast_in_dim3A_753 : vector<16x1xi1>, vector<16x1xf32>
    %add3A_755 = arith.addf %add3A_747, %select_n3A_754 : vector<16x1xf32>
    %sub3A_756 = arith.subf %add3A_680, %floor3A : vector<1x1xf32>
    %sub3A_757 = arith.subf %add3A_681, %floor3A_635 : vector<1x1xf32>
    %sub3A_758 = arith.subf %add3A_682, %floor3A_642 : vector<1x1xf32>
    %sub3A_759 = arith.subf %add3A_683, %floor3A_649 : vector<1x1xf32>
    %sub3A_760 = arith.subf %add3A_684, %floor3A_656 : vector<1x1xf32>
    %sub3A_761 = arith.subf %add3A_685, %floor3A_663 : vector<1x1xf32>
    %sub3A_762 = arith.subf %add3A_686, %floor3A_670 : vector<1x1xf32>
    %sub3A_763 = arith.subf %add3A_687, %floor3A_677 : vector<1x1xf32>
    %broadcast_in_dim3A_764 = arith.constant 0.000000e+00 : f32
    %broadcast_in_dim3A_765 = vector.broadcast %broadcast_in_dim3A_764 : f32 to vector<16x1xf32>
    %eq3A_766 = arith.constant 0.000000e+00 : f32
    %eq3A_767 = vector.broadcast %eq3A_766 : f32 to vector<16x1xf32>
    %eq3A_768 = arith.cmpf oeq, %add3A_755, %eq3A_767 : vector<16x1xf32>
    %broadcast_in_dim3A_769 = vector.shape_cast %sub3A_756 : vector<1x1xf32> to vector<1x1xf32>
    %broadcast_in_dim3A_770 = vector.broadcast %broadcast_in_dim3A_769 : vector<1x1xf32> to vector<16x1xf32>
    %select_n3A_771 = arith.select %eq3A_768, %broadcast_in_dim3A_770, %broadcast_in_dim3A_765 : vector<16x1xi1>, vector<16x1xf32>
    %eq3A_772 = arith.constant 1.000000e+00 : f32
    %eq3A_773 = vector.broadcast %eq3A_772 : f32 to vector<16x1xf32>
    %eq3A_774 = arith.cmpf oeq, %add3A_755, %eq3A_773 : vector<16x1xf32>
    %broadcast_in_dim3A_775 = vector.shape_cast %sub3A_757 : vector<1x1xf32> to vector<1x1xf32>
    %broadcast_in_dim3A_776 = vector.broadcast %broadcast_in_dim3A_775 : vector<1x1xf32> to vector<16x1xf32>
    %select_n3A_777 = arith.select %eq3A_774, %broadcast_in_dim3A_776, %select_n3A_771 : vector<16x1xi1>, vector<16x1xf32>
    %eq3A_778 = arith.constant 2.000000e+00 : f32
    %eq3A_779 = vector.broadcast %eq3A_778 : f32 to vector<16x1xf32>
    %eq3A_780 = arith.cmpf oeq, %add3A_755, %eq3A_779 : vector<16x1xf32>
    %broadcast_in_dim3A_781 = vector.shape_cast %sub3A_758 : vector<1x1xf32> to vector<1x1xf32>
    %broadcast_in_dim3A_782 = vector.broadcast %broadcast_in_dim3A_781 : vector<1x1xf32> to vector<16x1xf32>
    %select_n3A_783 = arith.select %eq3A_780, %broadcast_in_dim3A_782, %select_n3A_777 : vector<16x1xi1>, vector<16x1xf32>
    %eq3A_784 = arith.constant 3.000000e+00 : f32
    %eq3A_785 = vector.broadcast %eq3A_784 : f32 to vector<16x1xf32>
    %eq3A_786 = arith.cmpf oeq, %add3A_755, %eq3A_785 : vector<16x1xf32>
    %broadcast_in_dim3A_787 = vector.shape_cast %sub3A_759 : vector<1x1xf32> to vector<1x1xf32>
    %broadcast_in_dim3A_788 = vector.broadcast %broadcast_in_dim3A_787 : vector<1x1xf32> to vector<16x1xf32>
    %select_n3A_789 = arith.select %eq3A_786, %broadcast_in_dim3A_788, %select_n3A_783 : vector<16x1xi1>, vector<16x1xf32>
    %eq3A_790 = arith.constant 4.000000e+00 : f32
    %eq3A_791 = vector.broadcast %eq3A_790 : f32 to vector<16x1xf32>
    %eq3A_792 = arith.cmpf oeq, %add3A_755, %eq3A_791 : vector<16x1xf32>
    %broadcast_in_dim3A_793 = vector.shape_cast %sub3A_760 : vector<1x1xf32> to vector<1x1xf32>
    %broadcast_in_dim3A_794 = vector.broadcast %broadcast_in_dim3A_793 : vector<1x1xf32> to vector<16x1xf32>
    %select_n3A_795 = arith.select %eq3A_792, %broadcast_in_dim3A_794, %select_n3A_789 : vector<16x1xi1>, vector<16x1xf32>
    %eq3A_796 = arith.constant 5.000000e+00 : f32
    %eq3A_797 = vector.broadcast %eq3A_796 : f32 to vector<16x1xf32>
    %eq3A_798 = arith.cmpf oeq, %add3A_755, %eq3A_797 : vector<16x1xf32>
    %broadcast_in_dim3A_799 = vector.shape_cast %sub3A_761 : vector<1x1xf32> to vector<1x1xf32>
    %broadcast_in_dim3A_800 = vector.broadcast %broadcast_in_dim3A_799 : vector<1x1xf32> to vector<16x1xf32>
    %select_n3A_801 = arith.select %eq3A_798, %broadcast_in_dim3A_800, %select_n3A_795 : vector<16x1xi1>, vector<16x1xf32>
    %eq3A_802 = arith.constant 6.000000e+00 : f32
    %eq3A_803 = vector.broadcast %eq3A_802 : f32 to vector<16x1xf32>
    %eq3A_804 = arith.cmpf oeq, %add3A_755, %eq3A_803 : vector<16x1xf32>
    %broadcast_in_dim3A_805 = vector.shape_cast %sub3A_762 : vector<1x1xf32> to vector<1x1xf32>
    %broadcast_in_dim3A_806 = vector.broadcast %broadcast_in_dim3A_805 : vector<1x1xf32> to vector<16x1xf32>
    %select_n3A_807 = arith.select %eq3A_804, %broadcast_in_dim3A_806, %select_n3A_801 : vector<16x1xi1>, vector<16x1xf32>
    %eq3A_808 = arith.constant 7.000000e+00 : f32
    %eq3A_809 = vector.broadcast %eq3A_808 : f32 to vector<16x1xf32>
    %eq3A_810 = arith.cmpf oeq, %add3A_755, %eq3A_809 : vector<16x1xf32>
    %broadcast_in_dim3A_811 = vector.shape_cast %sub3A_763 : vector<1x1xf32> to vector<1x1xf32>
    %broadcast_in_dim3A_812 = vector.broadcast %broadcast_in_dim3A_811 : vector<1x1xf32> to vector<16x1xf32>
    %select_n3A_813 = arith.select %eq3A_810, %broadcast_in_dim3A_812, %select_n3A_807 : vector<16x1xi1>, vector<16x1xf32>
    %sub3A_814 = arith.subf %convert_element_type3A_689, %select_n3A_813 : vector<16x1xf32>
    %ge3A_815 = vector.broadcast %add3A_687 : vector<1x1xf32> to vector<16x1xf32>
    %ge3A_816 = arith.cmpf oge, %convert_element_type3A_689, %ge3A_815 : vector<16x1xf32>
    %jit3A_817 = arith.constant 7.000000e+00 : f32
    %broadcast_in_dim3A_818 = vector.broadcast %jit3A_817 : f32 to vector<16x1xf32>
    %select_n3A_819 = arith.select %ge3A_816, %broadcast_in_dim3A_818, %add3A_755 : vector<16x1xi1>, vector<16x1xf32>
    %mul3A_820 = arith.constant 4.000000e+00 : f32
    %mul3A_821 = vector.broadcast %mul3A_820 : f32 to vector<16x1xf32>
    %mul3A_822 = arith.mulf %select_n3A_819, %mul3A_821 : vector<16x1xf32>
    %add3A_823 = arith.addf %mul3A_822, %sub3A_814 : vector<16x1xf32>
    %jit3A_824 = arith.constant 3.100000e+01 : f32
    %broadcast_in_dim3A_825 = vector.broadcast %jit3A_824 : f32 to vector<16x1xf32>
    %select_n3A_826 = arith.select %ge3A_816, %broadcast_in_dim3A_825, %add3A_823 : vector<16x1xi1>, vector<16x1xf32>
    %convert_element_type3A_827 = arith.fptosi %select_n3A_819 : vector<16x1xf32> to vector<16x1xi32>
    %swap3A_828 = arith.constant 0 : index
    %swap3A_829 = arith.constant 0 : index
    %swap3A_830 = vector.load %arg8[%swap3A_828, %swap3A_829] : memref<16x1xi32, #tpu.memory_space<vmem>>, vector<16x1xi32>
    tpu.vector_store %arg8[%swap3A_828, %swap3A_829], %convert_element_type3A_827 {strides = array<i32>} : memref<16x1xi32, #tpu.memory_space<vmem>>, vector<16x1xi32>,
    %convert_element_type3A_831 = arith.fptosi %select_n3A_826 : vector<16x1xf32> to vector<16x1xi32>
    %swap3A_832 = arith.constant 0 : index
    %swap3A_833 = arith.constant 0 : index
    %swap3A_834 = vector.load %arg9[%swap3A_832, %swap3A_833] : memref<16x1xi32, #tpu.memory_space<vmem>>, vector<16x1xi32>
    tpu.vector_store %arg9[%swap3A_832, %swap3A_833], %convert_element_type3A_831 {strides = array<i32>} : memref<16x1xi32, #tpu.memory_space<vmem>>, vector<16x1xi32>,
    return
  }
}

module attributes {stable_mosaic.version = 14 : i64} {
  func.func @_shared_body(%arg0: i32, %arg1: memref<256x1024xf32, #tpu.memory_space<vmem>>, %arg2: memref<2048x1024xf32, #tpu.memory_space<vmem>>, %arg3: memref<1024x1024xf32, #tpu.memory_space<vmem>>, %arg4: memref<256x1024xf32, #tpu.memory_space<vmem>>) attributes {dimension_semantics = [#tpu.dimension_semantics<arbitrary>], iteration_bounds = array<i64: 8>, scalar_prefetch = 0 : i64, scratch_operands = 0 : i64, tpu.core_type = #tpu.core_type<tc>, window_params = [{transform_indices = @transform_0, window_bounds = array<i64: 256, 1024>}, {pipeline_mode = #tpu.pipeline_mode<synchronous>, transform_indices = @transform_1, window_bounds = array<i64: 2048, 1024>}, {pipeline_mode = #tpu.pipeline_mode<synchronous>, transform_indices = @transform_2, window_bounds = array<i64: 1024, 1024>}, {transform_indices = @transform_3, window_bounds = array<i64: 256, 1024>}]} {
    %get3A = arith.constant 0 : index
    %get3A_0 = arith.constant 0 : index
    %get3A_1 = vector.load %arg1[%get3A, %get3A_0] : memref<256x1024xf32, #tpu.memory_space<vmem>>, vector<256x1024xf32>
    %get3A_2 = arith.constant 0 : index
    %get3A_3 = arith.constant 0 : index
    %get3A_4 = vector.load %arg2[%get3A_2, %get3A_3] : memref<2048x1024xf32, #tpu.memory_space<vmem>>, vector<2048x1024xf32>
    %dot_general3A = arith.constant dense<0.000000e+00> : vector<256x2048xf32>
    %dot_general3A_5 = tpu.matmul %get3A_1, %get3A_4, %dot_general3A {dimension_numbers = #tpu.dot_dimension_numbers<[1], [1], [0], [0], [0, 0, 1, 0], [], []>, transpose_lhs_hint = false} : vector<256x1024xf32>, vector<2048x1024xf32>, vector<256x2048xf32> -> vector<256x2048xf32>
    %slice3A = vector.extract_strided_slice %dot_general3A_5 {offsets = [0, 0], sizes = [256, 1024], strides = [1, 1]} : vector<256x2048xf32> to vector<256x1024xf32>
    %logistic3A = arith.negf %slice3A : vector<256x1024xf32>
    %logistic3A_6 = math.exp %logistic3A : vector<256x1024xf32>
    %logistic3A_7 = arith.constant 1.000000e+00 : f32
    %logistic3A_8 = vector.broadcast %logistic3A_7 : f32 to vector<256x1024xf32>
    %logistic3A_9 = arith.addf %logistic3A_8, %logistic3A_6 : vector<256x1024xf32>
    %logistic3A_10 = arith.divf %logistic3A_8, %logistic3A_9 : vector<256x1024xf32>
    %mul3A = arith.mulf %slice3A, %logistic3A_10 : vector<256x1024xf32>
    %slice3A_11 = vector.extract_strided_slice %dot_general3A_5 {offsets = [0, 1024], sizes = [256, 1024], strides = [1, 1]} : vector<256x2048xf32> to vector<256x1024xf32>
    %mul3A_12 = arith.mulf %mul3A, %slice3A_11 : vector<256x1024xf32>
    %get3A_13 = arith.constant 0 : index
    %get3A_14 = arith.constant 0 : index
    %get3A_15 = vector.load %arg3[%get3A_13, %get3A_14] : memref<1024x1024xf32, #tpu.memory_space<vmem>>, vector<1024x1024xf32>
    %dot_general3A_16 = arith.constant dense<0.000000e+00> : vector<256x1024xf32>
    %dot_general3A_17 = tpu.matmul %mul3A_12, %get3A_15, %dot_general3A_16 {dimension_numbers = #tpu.dot_dimension_numbers<[1], [1], [0], [0], [0, 0, 1, 0], [], []>, transpose_lhs_hint = false} : vector<256x1024xf32>, vector<1024x1024xf32>, vector<256x1024xf32> -> vector<256x1024xf32>
    %swap3A = arith.constant 0 : index
    %swap3A_18 = arith.constant 0 : index
    %swap3A_19 = vector.load %arg4[%swap3A, %swap3A_18] : memref<256x1024xf32, #tpu.memory_space<vmem>>, vector<256x1024xf32>
    tpu.vector_store %arg4[%swap3A, %swap3A_18], %dot_general3A_17 {strides = array<i32>} : memref<256x1024xf32, #tpu.memory_space<vmem>>, vector<256x1024xf32>,
    return
  }
  func.func @transform_0(%arg0: i32) -> (i32, i32) {
    %c0_i32 = arith.constant 0 : i32
    %c0_i32_0 = arith.constant 0 : i32
    return %arg0, %c0_i32 : i32, i32
  }
  func.func @transform_1(%arg0: i32) -> (i32, i32) {
    %c0_i32 = arith.constant 0 : i32
    %c0_i32_0 = arith.constant 0 : i32
    %c0_i32_1 = arith.constant 0 : i32
    return %c0_i32, %c0_i32_0 : i32, i32
  }
  func.func @transform_2(%arg0: i32) -> (i32, i32) {
    %c0_i32 = arith.constant 0 : i32
    %c0_i32_0 = arith.constant 0 : i32
    %c0_i32_1 = arith.constant 0 : i32
    return %c0_i32, %c0_i32_0 : i32, i32
  }
  func.func @transform_3(%arg0: i32) -> (i32, i32) {
    %c0_i32 = arith.constant 0 : i32
    %c0_i32_0 = arith.constant 0 : i32
    return %arg0, %c0_i32 : i32, i32
  }
}

</mosaic_0001>

<sc_bundles>
// kernel: kernel.11.cloned.1.call-start
scs
__scs_entry_jumppad:
0x0: {  	(pc) =	sbr.rel $0x88, $3  }
0x1: {  	(tag) =	ssettag $0x0;
	lr =	simm.s32 $0x1  }
0x2: {  	[smem:$0x3F9A] =	sst lr;
	_ =	strace $0xD0000000  }
0x3: {  	_ = 	snop  }
0x4: {  	_ = 	snop  }
0x5: {  	_ = 	snop  }
0x6: {  	_ = 	snop  }
0x7: {  	_ = 	snop  }
__scs_overlays_trampoline_lowered:
0x8: {  	[smem:$0x3FA9] =	sst s0  }
0x9: {  	[smem:$0x3FAA] =	sst s1  }
0xa: {  	[smem:$0x3FAB] =	sst s2  }
0xb: {  	[smem:$0x3FAC] =	sst s3  }
0xc: {  	[smem:$0x3FAD] =	sst s4  }
0xd: {  	[smem:$0x3FAE] =	sst s5  }
0xe: {  	[smem:$0x3FAF] =	sst s6  }
0xf: {  	[smem:$0x3FB0] =	sst s7  }
0x10: {  	[smem:$0x3FB1] =	sst s8  }
0x11: {  	[smem:$0x3FB2] =	sst s9;
	s0 =	simm.s32 @!p0 $0x0  }
0x12: {  	s1 =	sld [smem:$0x3F98];
	s0 =	simm.s32 @p0 $0x1  }
0x13: {  	[smem:$0x3FB3] =	sst s0;
	s0 =	simm.s32 @!p1 $0x0  }
0x14: {  	s2 =	sld [smem:$0x3F97];
	s0 =	simm.s32 @p1 $0x1  }
0x15: {  	[smem:$0x3FB4] =	sst s0;
	s0 =	simm.s32 @!p2 $0x0  }
0x16: {  	s3 =	sld [smem:$0x3FDB];
	s0 =	simm.s32 @p2 $0x1  }
0x17: {  	s4 =	simm.s32 $0x1BF5;
	[smem:$0x3FB6] =	sst s0  }
0x18: {  	s0 =	sld [smem:$0x3F99];
	_ =	swait.ge [sflag:s4], $0x0  }
0x19: {  	s7 =	sld [smem:$0x3F9A]  }
0x1a: {  	s8 =	sadd.s32 $0xFFFFE003, lr  }
0x1b: {  	s9 =	sadd.s32 $0xFFFFFEF7, lr;
	s5 =	simm.s32 $0xFFFFFFFF;
	p2 =	slt.u32 s8, $0xFFFFF086  }
0x1c: {  	p1 =	slt.u32 s9, $0xF7A;
	s5 =	simm.s32 @!p2 $0x0  }
0x1d: {  	s5 =	simm.s32 @p1 $0x1;
	p0 =	seq.s32 s7, s2  }
0x1e: {  	s7 =	smul.u32 @!p0 $0xF7A, s2;
	p2 =	seq.s32 @!p0 s5, $0x0  }
0x1f: {  	s9 =	smul.u32 $0xF7A, s1;
	s8 =	simm.s32 @!p0 $0x1BF5;
	p2 =	por !p2, p0  }
0x20: {  	[sflag:s8] =	ssyncset.s32 @!p0 $0xFFFFF086;
	s6 =	sadd.s32 @!p0 s3, s7;
	s7 =	simm.s32 @!p0 $0x108  }
0x21: {  	s3 =	sadd.s32 s3, s9;
	s6 =	sadd.s32 @!p0 $0x88, s6;
	s7 =	simm.s32 @p2 $0x1082  }
0x22: {  	[simem:s7], [sflag:s8] =	dma.local @!p0 [hbm:s6], $0xF7A  }
0x23: {  	s9 =	sor.u32 $0xD0000000, s2;
	s6 =	simm.s32 $0x108;
	_ =	swait.ge @!p0 [sflag:s8], $0x0  }
0x24: {  	s3 =	sadd.s32 $0x88, s3;
	s6 =	simm.s32 @!p1 $0x1082;
	[sflag:s4] =	ssyncset.s32 $0xFFFFF086  }
0x25: {  	[simem:s6], [sflag:s4] =	dma.local [hbm:s3], $0xF7A  }
0x26: {  	[smem:$0x3F9A] =	sst s1;
	(tag) =	ssettag s2;
	_ =	strace s9  }
0x27: {  	s1 =	sld [smem:$0x3FAA]  }
0x28: {  	s2 =	sld [smem:$0x3FAB]  }
0x29: {  	s4 =	sld [smem:$0x3FAD]  }
0x2a: {  	p0 =	seq.s32 s5, $0x0;
	s5 =	sld [smem:$0x3FAE]  }
0x2b: {  	s6 =	sld [smem:$0x3FAF]  }
0x2c: {  	s7 =	sld [smem:$0x3FB0]  }
0x2d: {  	s3 =	simm.s32 $0x108;
	s8 =	sld [smem:$0x3FB1]  }
0x2e: {  	s3 =	simm.s32 @!p0 $0x1082;
	s9 =	sld [smem:$0x3FB2]  }
0x2f: {  	lr =	sadd.s32 s0, s3;
	s0 =	sld [smem:$0x3FA9]  }
0x30: {  	s3 =	sld [smem:$0x3FAC]  }
0x31: {  	[smem:$0x3FB5] =	sst s10  }
0x32: {  	s10 =	sld [smem:$0x3FB3];
	_ =	sdelay $0x3  }
0x33: {  	p0 =	seq.s32 s10, $0x1;
	s10 =	sld [smem:$0x3FB5];
	_ =	sdelay $0x3  }
0x34: {  	[smem:$0x3FB5] =	sst s10  }
0x35: {  	s10 =	sld [smem:$0x3FB4];
	_ =	sdelay $0x3  }
0x36: {  	p1 =	seq.s32 s10, $0x1;
	s10 =	sld [smem:$0x3FB5];
	_ =	sdelay $0x3  }
0x37: {  	[smem:$0x3FB5] =	sst s10  }
0x38: {  	s10 =	sld [smem:$0x3FB6]  }
0x39: {  	_ = 	snop;
	(pc) =	sbr.ind lr, $3  }
0x3a: {  	_ = 	snop  }
0x3b: {  	_ = 	snop  }
0x3c: {  	p2 =	seq.s32 s10, $0x1;
	s10 =	sld [smem:$0x3FB5]  }
0x3d: {  	_ =	shalt  }
0x3e: {  	_ =	shalt  }
0x3f: {  	_ =	shalt  }
0x40: {  	_ =	shalt  }
0x41: {  	_ =	shalt  }
0x42: {  	_ =	shalt  }
0x43: {  	_ =	shalt  }
0x44: {  	_ =	shalt  }
0x45: {  	_ =	shalt  }
0x46: {  	_ =	shalt  }
0x47: {  	_ =	shalt  }
0x48: {  	_ =	shalt  }
0x49: {  	_ =	shalt  }
0x4a: {  	_ =	shalt  }
0x4b: {  	_ =	shalt  }
0x4c: {  	_ =	shalt  }
0x4d: {  	_ =	shalt  }
0x4e: {  	_ =	shalt  }
0x4f: {  	_ =	shalt  }
0x50: {  	_ =	shalt  }
0x51: {  	_ =	shalt  }
0x52: {  	_ =	shalt  }
0x53: {  	_ =	shalt  }
0x54: {  	_ =	shalt  }
0x55: {  	_ =	shalt  }
0x56: {  	_ =	shalt  }
0x57: {  	_ =	shalt  }
0x58: {  	_ =	shalt  }
0x59: {  	_ =	shalt  }
0x5a: {  	_ =	shalt  }
0x5b: {  	_ =	shalt  }
0x5c: {  	_ =	shalt  }
0x5d: {  	_ =	shalt  }
0x5e: {  	_ =	shalt  }
0x5f: {  	_ =	shalt  }
0x60: {  	_ =	shalt  }
0x61: {  	_ =	shalt  }
0x62: {  	_ =	shalt  }
0x63: {  	_ =	shalt  }
0x64: {  	_ =	shalt  }
0x65: {  	_ =	shalt  }
0x66: {  	_ =	shalt  }
0x67: {  	_ =	shalt  }
0x68: {  	_ =	shalt  }
0x69: {  	_ =	shalt  }
0x6a: {  	_ =	shalt  }
0x6b: {  	_ =	shalt  }
0x6c: {  	_ =	shalt  }
0x6d: {  	_ =	shalt  }
0x6e: {  	_ =	shalt  }
0x6f: {  	_ =	shalt  }
0x70: {  	_ =	shalt  }
0x71: {  	_ =	shalt  }
0x72: {  	_ =	shalt  }
0x73: {  	_ =	shalt  }
0x74: {  	_ =	shalt  }
0x75: {  	_ =	shalt  }
0x76: {  	_ =	shalt  }
0x77: {  	_ =	shalt  }
0x78: {  	_ =	shalt  }
0x79: {  	_ =	shalt  }
0x7a: {  	_ =	shalt  }
0x7b: {  	_ =	shalt  }
0x7c: {  	_ =	shalt  }
0x7d: {  	_ =	shalt  }
0x7e: {  	_ =	shalt  }
0x7f: {  	_ =	shalt  }
0x80: {  	_ =	shalt  }
0x81: {  	_ =	shalt  }
0x82: {  	_ =	shalt  }
0x83: {  	_ =	shalt  }
0x84: {  	_ =	shalt  }
0x85: {  	_ =	shalt  }
0x86: {  	_ =	shalt  }
0x87: {  	_ =	shalt  }
.Lfunc_end0:
.L_simem_size_0:
called_computation.1_lowered:
.L_overlay_start_0:
0x88: {  	s2 =	sld [smem:$0x3FD9]  }
0x89: {  	s3 =	sld [smem:$0x3FFE];
	_ =	sdelay $0x1  }
0x8a: {  	s1 =	srdreg.scid  }
0x8b: {  	s0 =	sand.u32 $0x1, s1  }
0x8c: {  	s17 =	sshll.u32 s0, $0xA;
	s2 =	sadd.s32 s3, s2  }
0x8d: {  	s2 =	sadd.s32 s2, s17  }
0x8e: {  	[smem:$0x3FC1] =	sst s2  }
0x8f: {  	_ = 	snop  }
0x90: {  	s2 =	sld [smem:$0x3FD0];
	(tm) =	ssettm $0x1  }
0x91: {  	s18 =	sld [smem:$0x3FFB];
	_ =	sdelay $0x3  }
0x92: {  	_ =	strace s18  }
0x93: {  	s3 =	sld [smem:$0x3FFC];
	_ =	sdelay $0x3  }
0x94: {  	_ =	strace s3  }
0x95: {  	s3 =	sld [smem:$0x3FFD];
	_ =	sdelay $0x3  }
0x96: {  	_ =	strace s3  }
0x97: {  	_ =	strace $0x8FFFFFFF  }
0x98: {  	s19 =	sld [smem:$0x3FDB];
	_ =	sdelay $0x1  }
0x99: {  	s4 =	simm.s32 $_scs_section_size  }
0x9a: {  	s5 =	simm.s32 $_size__tile_overlayer_lowered;
	s6 =	simm.s32 $_tile_overlayer_lowered  }
0x9b: {  	s22 =	simm.s32 $0x1BFF;
	s21 =	sshll.u32 s6, $0x1;
	s3 =	sadd.s32 s4, s19  }
0x9c: {  	s7 =	simm.s32 $0x0;
	s20 =	sshll.u32 s5, $0x1;
	s5 =	sadd.s32 s21, s3  }
0x9d: {  	[timem:s7], [sflag:s22] =	dma.local [hbm:s5], s20  }
0x9e: {  	_ =	swait.ge [sflag:s22], s20  }
0x9f: {  	s4 =	ssub.s32 $0x0, s20;
	[sflag:s22] =	ssyncset.done $0x0  }
0xa0: {  	[sflag:s22] =	ssyncadd.s32 s4;
	_ =	sdelay $0x1  }
0xa1: {  	s23 =	simm.s32 $0x1B8B  }
0xa2: {  	_ =	swait.ge [sflag:s23], $0x1  }
0xa3: {  	[sflag:s23] =	ssyncset.done $0x0  }
0xa4: {  	s25 =	simm.s32 $0x1B8E;
	s24 =	sld [smem:$0x3FFE];
	[sflag:s23] =	ssyncadd.s32 $0xFFFFFFFF  }
0xa5: {  	s26 =	simm.s32 $execute0_lowered;
	[smem:$0x3FD2] =	sst s25  }
0xa6: {  	s5 =	sshll.u32 s26, $0x1;
	_ =	strace $0x80000049;
	[dreg:$0x1] =	wrdreg $0xFFFFFFFF  }
0xa7: {  	s28 =	simm.s32 $_size_execute0_lowered;
	s3 =	sadd.s32 s3, s5;
	[dreg:$0x0] =	wrdreg $0x0  }
0xa8: {  	s5 =	sshll.u32 s28, $0x1;
	[dreg:$0x2] =	wrdreg s3  }
0xa9: {  	[dreg:$0x3] =	wrdreg s5  }
0xaa: {  	[dreg:$0x4] =	wrdreg $0xC0  }
0xab: {  	_ =	task [dreg:s7], $0x5FFFF  }
0xac: {  	[dreg:$0x1] =	wrdreg $0xFFFFFFFF  }
0xad: {  	[dreg:$0x0] =	wrdreg $0x60  }
0xae: {  	[dreg:$0x2] =	wrdreg s24  }
0xaf: {  	[dreg:$0x3] =	wrdreg s2  }
0xb0: {  	[dreg:$0x4] =	wrdreg $0x9  }
0xb1: {  	_ =	task.clear_ibuf [dreg:s7], $0x5FFFF;
	_ =	strace $0x90000049  }
0xb2: {  	s29 =	simm.s32 $0x9;
	_ =	strace $0x8000004B  }
0xb3: {  	_ =	swait.ge [sflag:s29], $0x1  }
0xb4: {  	[sflag:s29] =	ssyncadd.s32 $0xFFFFFFFF  }
0xb5: {  	_ =	strace $0x9000004B  }
0xb6: {  	_ =	sfence  }
0xb7: {  	s30 =	sld [smem:$0x0];
	_ =	sdelay $0x2  }
0xb8: {  	s31 =	sshll.u32 s1, $0xD;
	s1 =	sshrl.u32 s1, $0x2  }
0xb9: {  	s3 =	sand.u32 $0x4000, s31;
	s1 =	sadd.s32 s1, s30  }
0xba: {  	s0 =	sor.u32 s3, s0;
	s1 =	sshll.u32 s1, $0x11  }
0xbb: {  	s0 =	sor.u32 s1, s0  }
0xbc: {  	s0 =	sadd.s32 $0x8F2B, s0  }
0xbd: {  	[sflag:s0] =	ssyncadd.remote.s32 $0x1  }
0xbe: {  	_ =	sfence.sel $0xFFFF  }
0xbf: {  	[dreg:$0x0] =	wrdreg $0xFFFFFFFF;
	(pc) =	sbr.abs _section_cstart, $3  }
0xc0: {  	[dreg:$0x1] =	wrdreg $0xFFFFFFFF  }
0xc1: {  	_ =	task.clear_ibuf [dreg:s7], $0x2FFFF;
	_ =	strace $0x9FFFFFFF  }
0xc2: {  	(tm) =	ssettm $0x7FFFFFFF  }
0xc3: {  	_ =	shalt  }
tec
execute0_lowered:
.L_overlay_start_1:
0x0: {  	(tag) =	ssettag $0x1  }
0x1: {  	s0 =	rddreg [dreg:$0x0]  }
0x2: {  	s3 =	rddreg [dreg:$0x1]  }
0x3: {  	s2 =	srdreg.scid;
	s1 =	stileid.u32;
	s17 =	simm.s32 $0x80  }
0x4: {  	s18 =	simm.s32 $0x100;
	s4 =	sand.u32 $0x1, s2;
	s2 =	simm.s32 $0x0  }
0x5: {  	s19 =	simm.s32 $0x180;
	s20 =	simm.s32 $0x8A00;
	[smem:$0x7FF] =	sst s2  }
0x6: {  	s21 =	simm.s32 $0x9200;
	_ =	strace $0x8000004A;
	[dreg:$0xb] =	wrdreg s17  }
0x7: {  	s22 =	simm.s32 $0x9A00;
	s23 =	simm.s32 $0xA200;
	[dreg:$0xc] =	wrdreg s18  }
0x8: {  	s24 =	simm.s32 $0xAA00;
	s25 =	simm.s32 $0xB200;
	[dreg:$0xd] =	wrdreg s19  }
0x9: {  	s29 =	simm.s32 $0xBA00;
	s28 =	simm.s32 $0x10200;
	[dreg:$0xe] =	wrdreg s20  }
0xa: {  	s30 =	simm.s32 $0x17A00;
	s31 =	simm.s32 $0x2;
	[dreg:$0xf] =	wrdreg s21  }
0xb: {  	s5 =	sshll.u32 s1, $0x7;
	s1 =	sadd.s32 $0x12600, s0;
	[dreg:$0x10] =	wrdreg s22  }
0xc: {  	s11 =	sadd.s32 $0x12800, s0;
	s14 =	sadd.s32 $0x12A00, s0;
	[dreg:$0x11] =	wrdreg s23  }
0xd: {  	s6 =	sshll.u32 s4, $0x6;
	s4 =	ssub.s32 $0x2, s4;
	[dreg:$0x12] =	wrdreg s24  }
0xe: {  	s5 =	sor.u32 s6, s5;
	s26 =	sshrl.u32 s4, $0x1;
	[dreg:$0x13] =	wrdreg s25  }
0xf: {  	[dreg:$0x14] =	wrdreg s29;
	s17 =	simm.s32 $0x11A00;
	s18 =	simm.s32 $0x12200  }
0x10: {  	s19 =	simm.s32 $0x12A00;
	s20 =	simm.s32 $0x13200;
	[dreg:$0x1f] =	wrdreg s17  }
0x11: {  	s21 =	simm.s32 $0x13A00;
	s22 =	simm.s32 $0x14200;
	[smem:$0x7F4] =	sst s18  }
0x12: {  	s23 =	simm.s32 $0x14A00;
	s24 =	simm.s32 $0x15200;
	[smem:$0x7F5] =	sst s19  }
0x13: {  	s25 =	simm.s32 $0x15A00;
	s29 =	simm.s32 $0x16A00;
	[smem:$0x7F6] =	sst s20  }
0x14: {  	s7 =	sshrl.u32 s5, $0x3;
	s8 =	sor.u32 $0x20, s5;
	[smem:$0x7F7] =	sst s21  }
0x15: {  	s5 =	sshll.u32 s5, $0x7;
	s17 =	simm.s32 $0x4200;
	[smem:$0x7F8] =	sst s22  }
0x16: {  	s18 =	simm.s32 $0x4A00;
	s19 =	simm.s32 $0x5200;
	[smem:$0x7F9] =	sst s23  }
0x17: {  	s20 =	simm.s32 $0x5A00;
	s21 =	simm.s32 $0x6200;
	[smem:$0x7FA] =	sst s24  }
0x18: {  	s22 =	simm.s32 $0x6A00;
	[smem:$0x7FB] =	sst s25;
	s23 =	simm.s32 $0x7200  }
0x19: {  	s24 =	simm.s32 $0x7A00;
	[smem:$0x7FD] =	sst s29;
	s9 =	sadd.s32 s1, s7  }
0x1a: {  	s25 =	simm.s32 $0x8200;
	s12 =	sadd.s32 s3, s5;
	[dreg:$0x3] =	wrdreg s9  }
0x1b: {  	s10 =	sshrl.u32 s8, $0x3;
	s15 =	sadd.s32 s14, s5;
	[dreg:$0x7] =	wrdreg s12  }
0x1c: {  	s13 =	sshll.u32 s8, $0x7;
	s8 =	simm.s32 $0xCA00;
	[dreg:$0x9] =	wrdreg s15  }
0x1d: {  	s5 =	sadd.s32 $0x212C00, s0;
	s6 =	sadd.s32 s1, s10;
	[dreg:$0x16] =	wrdreg s8  }
0x1e: {  	s9 =	sadd.s32 s11, s7;
	s11 =	sadd.s32 s11, s10;
	[dreg:$0x4] =	wrdreg s6  }
0x1f: {  	s3 =	sadd.s32 s3, s13;
	s16 =	sadd.s32 s14, s13;
	[dreg:$0x5] =	wrdreg s9  }
0x20: {  	s1 =	ssub.s32 s4, s26;
	s4 =	sadd.s32 $0x212B00, s0;
	[dreg:$0x6] =	wrdreg s11  }
0x21: {  	s10 =	simm.s32 $0xDA00;
	s8 =	simm.s32 $0x4;
	[dreg:$0x8] =	wrdreg s3  }
0x22: {  	s12 =	simm.s32 $0xEA00;
	s13 =	simm.s32 $0xF200;
	[dreg:$0xa] =	wrdreg s16  }
0x23: {  	s14 =	simm.s32 $0xFA00;
	s15 =	simm.s32 $0x10A00;
	[dreg:$0x18] =	wrdreg s10  }
0x24: {  	s26 =	simm.s32 $0x16200;
	s3 =	sadd.s32 $0x212A00, s0;
	[dreg:$0x1a] =	wrdreg s12  }
0x25: {  	s6 =	simm.s32 $0xC200;
	s9 =	simm.s32 $0xD200;
	[dreg:$0x1b] =	wrdreg s13  }
0x26: {  	s7 =	smax.u32 s1, $0x1;
	s11 =	simm.s32 $0xE200;
	[dreg:$0x1c] =	wrdreg s14  }
0x27: {  	s10 =	simm.s32 $0xA00;
	s12 =	simm.s32 $0x1A00;
	[dreg:$0x1d] =	wrdreg s15  }
0x28: {  	s16 =	simm.s32 $0x11200;
	s13 =	simm.s32 $0x2200;
	[smem:$0x7FC] =	sst s26  }
0x29: {  	s14 =	simm.s32 $0x2A00;
	s15 =	simm.s32 $0x3200;
	[dreg:$0x15] =	wrdreg s6  }
0x2a: {  	v2 =	vlaneseq.u32;
	s26 =	simm.s32 $0x1;
	s6 =	sadd.s32 $0x212D00, s0;
	[dreg:$0x17] =	wrdreg s9  }
0x2b: {  	vm0 =	vmmov $0xffff;
	v1 =	vshrl.u32 v2, $0x3;
	[dreg:$0x19] =	wrdreg s11;
	s9 =	simm.s32 $0x200;
	s11 =	simm.s32 $0x1200  }
0x2c: {  	v0 =	vand.u32 $0x7, v2;
	v2 =	vor.u32 $0x8, v2;
	v1 =	vmul.u32 $0x8, v1;
	[dreg:$0x1e] =	wrdreg s16;
	s16 =	simm.s32 $0x3A00;
	s0 =	simm.s32 $0x3  }
.LBB2_1:
0x2d: {  	s1 =	rddreg [dreg:$0x3]  }
0x2e: {  	[tilespmem:s2], [sflag:$0x4] =	stream.linear.gather [hbm4b:s1+s2], $0x20, $0x38;
	[tilespmem:$0x18200] =	vst v63  }
0x2f: {  	_ =	swait.ge [sflag:s8], $0x20  }
0x30: {  	s1 =	rddreg [dreg:$0x4];
	[sflag:s8] =	ssyncset.done $0x0  }
0x31: {  	s29 =	rddreg [dreg:$0xb];
	[sflag:s8] =	ssyncadd.s32 $0xFFFFFFE0  }
0x32: {  	[tilespmem:s29], [sflag:$0x4] =	stream.linear.gather [hbm4b:s1+s2], $0x20, $0x38;
	[tilespmem:$0x18200] =	vst v63  }
0x33: {  	_ =	swait.ge [sflag:s8], $0x20  }
0x34: {  	s1 =	rddreg [dreg:$0x5];
	[sflag:s8] =	ssyncset.done $0x0  }
0x35: {  	s29 =	rddreg [dreg:$0xc];
	[sflag:s8] =	ssyncadd.s32 $0xFFFFFFE0  }
0x36: {  	[tilespmem:s29], [sflag:$0x4] =	stream.linear.gather [hbm4b:s1+s2], $0x20, $0x38;
	[tilespmem:$0x18200] =	vst v63  }
0x37: {  	_ =	swait.ge [sflag:s8], $0x20  }
0x38: {  	s1 =	rddreg [dreg:$0x6];
	[sflag:s8] =	ssyncset.done $0x0  }
0x39: {  	s29 =	rddreg [dreg:$0xd];
	[sflag:s8] =	ssyncadd.s32 $0xFFFFFFE0  }
0x3a: {  	[tilespmem:s29], [sflag:$0x4] =	stream.linear.gather [hbm4b:s1+s2], $0x20, $0x38;
	[tilespmem:$0x18200] =	vst v63  }
0x3b: {  	_ =	swait.ge [sflag:s8], $0x20  }
0x3c: {  	[sflag:s8] =	ssyncset.done $0x0  }
0x3d: {  	[sflag:s8] =	ssyncadd.s32 $0xFFFFFFE0  }
0x3e: {  	v3 =	vld [tilespmem:$0x0];
	_ =	sdelay $0x4  }
0x3f: {  	v4 =	vshll.u32 v3, $0x3  }
0x40: {  	v3 =	vand.u32 $0x7, v3;
	v4 =	vand.u32 $0xFFFFFFC0, v4  }
0x41: {  	v3 =	vor.u32 v3, v4  }
0x42: {  	v4 =	vperm.xlane v3, v0;
	_ =	sdelay $0x1  }
0x43: {  	v4 =	vadd.s32 v1, v4;
	_ =	sdelay $0x4  }
0x44: {  	[tilespmem:s9], [sflag:$0x1] =	stream.indirect_vreg.gather [hbm4b:s3+s2], $0x80, v4, vm0, $0xb8;
	[tilespmem:$0x18200] =	vst v63  }
0x45: {  	v3 =	vperm.xlane v3, v2  }
0x46: {  	[tilespmem:s10], [sflag:$0x1] =	stream.indirect_vreg.gather [hbm4b:s4+s2], $0x80, v4, vm0, $0xb8;
	[tilespmem:$0x18200] =	vst v63  }
0x47: {  	v3 =	vadd.s32 v1, v3  }
0x48: {  	[tilespmem:s11], [sflag:$0x1] =	stream.indirect_vreg.gather [hbm4b:s5+s2], $0x80, v4, vm0, $0xb8;
	[tilespmem:$0x18200] =	vst v63  }
0x49: {  	_ = 	snop  }
0x4a: {  	[tilespmem:s12], [sflag:$0x1] =	stream.indirect_vreg.gather [hbm4b:s6+s2], $0x80, v4, vm0, $0xb8;
	[tilespmem:$0x18200] =	vst v63  }
0x4b: {  	_ = 	snop  }
0x4c: {  	[tilespmem:s13], [sflag:$0x1] =	stream.indirect_vreg.gather [hbm4b:s3+s2], $0x80, v3, vm0, $0xb8;
	[tilespmem:$0x18200] =	vst v63  }
0x4d: {  	_ = 	snop  }
0x4e: {  	[tilespmem:s14], [sflag:$0x1] =	stream.indirect_vreg.gather [hbm4b:s4+s2], $0x80, v3, vm0, $0xb8;
	[tilespmem:$0x18200] =	vst v63  }
0x4f: {  	_ = 	snop  }
0x50: {  	[tilespmem:s15], [sflag:$0x1] =	stream.indirect_vreg.gather [hbm4b:s5+s2], $0x80, v3, vm0, $0xb8;
	[tilespmem:$0x18200] =	vst v63  }
0x51: {  	_ = 	snop  }
0x52: {  	[tilespmem:s16], [sflag:$0x1] =	stream.indirect_vreg.gather [hbm4b:s6+s2], $0x80, v3, vm0, $0xb8;
	[tilespmem:$0x18200] =	vst v63  }
0x53: {  	v3 =	vld [tilespmem:$0x10];
	_ =	sdelay $0x4  }
0x54: {  	v57 =	vshll.u32 v3, $0x3  }
0x55: {  	v3 =	vand.u32 $0x7, v3;
	v4 =	vand.u32 $0xFFFFFFC0, v57  }
0x56: {  	v3 =	vor.u32 v3, v4  }
0x57: {  	v4 =	vperm.xlane v3, v0;
	_ =	sdelay $0x1  }
0x58: {  	v4 =	vadd.s32 v1, v4;
	_ =	sdelay $0x4  }
0x59: {  	[tilespmem:s17], [sflag:$0x1] =	stream.indirect_vreg.gather [hbm4b:s3+s2], $0x80, v4, vm0, $0xb8;
	[tilespmem:$0x18200] =	vst v63  }
0x5a: {  	v3 =	vperm.xlane v3, v2  }
0x5b: {  	[tilespmem:s18], [sflag:$0x1] =	stream.indirect_vreg.gather [hbm4b:s4+s2], $0x80, v4, vm0, $0xb8;
	[tilespmem:$0x18200] =	vst v63  }
0x5c: {  	v3 =	vadd.s32 v1, v3  }
0x5d: {  	[tilespmem:s19], [sflag:$0x1] =	stream.indirect_vreg.gather [hbm4b:s5+s2], $0x80, v4, vm0, $0xb8;
	[tilespmem:$0x18200] =	vst v63  }
0x5e: {  	_ = 	snop  }
0x5f: {  	[tilespmem:s20], [sflag:$0x1] =	stream.indirect_vreg.gather [hbm4b:s6+s2], $0x80, v4, vm0, $0xb8;
	[tilespmem:$0x18200] =	vst v63  }
0x60: {  	_ = 	snop  }
0x61: {  	[tilespmem:s21], [sflag:$0x1] =	stream.indirect_vreg.gather [hbm4b:s3+s2], $0x80, v3, vm0, $0xb8;
	[tilespmem:$0x18200] =	vst v63  }
0x62: {  	_ = 	snop  }
0x63: {  	[tilespmem:s22], [sflag:$0x1] =	stream.indirect_vreg.gather [hbm4b:s4+s2], $0x80, v3, vm0, $0xb8;
	[tilespmem:$0x18200] =	vst v63  }
0x64: {  	_ = 	snop  }
0x65: {  	[tilespmem:s23], [sflag:$0x1] =	stream.indirect_vreg.gather [hbm4b:s5+s2], $0x80, v3, vm0, $0xb8;
	[tilespmem:$0x18200] =	vst v63  }
0x66: {  	_ = 	snop  }
0x67: {  	[tilespmem:s24], [sflag:$0x1] =	stream.indirect_vreg.gather [hbm4b:s6+s2], $0x80, v3, vm0, $0xb8;
	[tilespmem:$0x18200] =	vst v63  }
0x68: {  	v3 =	vld [tilespmem:$0x80];
	_ =	sdelay $0x4  }
0x69: {  	v58 =	vshll.u32 v3, $0x3  }
0x6a: {  	v3 =	vand.u32 $0x7, v3;
	v4 =	vand.u32 $0xFFFFFFC0, v58  }
0x6b: {  	v3 =	vor.u32 v3, v4  }
0x6c: {  	v4 =	vperm.xlane v3, v0;
	_ =	sdelay $0x1  }
0x6d: {  	v4 =	vadd.s32 v1, v4;
	_ =	sdelay $0x4  }
0x6e: {  	[tilespmem:s25], [sflag:$0x2] =	stream.indirect_vreg.gather [hbm4b:s3+s2], $0x80, v4, vm0, $0xb8;
	[tilespmem:$0x18200] =	vst v63  }
0x6f: {  	s1 =	rddreg [dreg:$0xe];
	v3 =	vperm.xlane v3, v2  }
0x70: {  	[tilespmem:s1], [sflag:$0x2] =	stream.indirect_vreg.gather [hbm4b:s4+s2], $0x80, v4, vm0, $0xb8;
	[tilespmem:$0x18200] =	vst v63  }
0x71: {  	s29 =	rddreg [dreg:$0xf];
	v3 =	vadd.s32 v1, v3  }
0x72: {  	[tilespmem:s29], [sflag:$0x2] =	stream.indirect_vreg.gather [hbm4b:s5+s2], $0x80, v4, vm0, $0xb8;
	[tilespmem:$0x18200] =	vst v63  }
0x73: {  	s1 =	rddreg [dreg:$0x10]  }
0x74: {  	[tilespmem:s1], [sflag:$0x2] =	stream.indirect_vreg.gather [hbm4b:s6+s2], $0x80, v4, vm0, $0xb8;
	[tilespmem:$0x18200] =	vst v63  }
0x75: {  	s29 =	rddreg [dreg:$0x11]  }
0x76: {  	[tilespmem:s29], [sflag:$0x2] =	stream.indirect_vreg.gather [hbm4b:s3+s2], $0x80, v3, vm0, $0xb8;
	[tilespmem:$0x18200] =	vst v63  }
0x77: {  	s1 =	rddreg [dreg:$0x12]  }
0x78: {  	[tilespmem:s1], [sflag:$0x2] =	stream.indirect_vreg.gather [hbm4b:s4+s2], $0x80, v3, vm0, $0xb8;
	[tilespmem:$0x18200] =	vst v63  }
0x79: {  	s29 =	rddreg [dreg:$0x13]  }
0x7a: {  	[tilespmem:s29], [sflag:$0x2] =	stream.indirect_vreg.gather [hbm4b:s5+s2], $0x80, v3, vm0, $0xb8;
	[tilespmem:$0x18200] =	vst v63  }
0x7b: {  	s1 =	rddreg [dreg:$0x14]  }
0x7c: {  	[tilespmem:s1], [sflag:$0x2] =	stream.indirect_vreg.gather [hbm4b:s6+s2], $0x80, v3, vm0, $0xb8;
	[tilespmem:$0x18200] =	vst v63  }
0x7d: {  	v3 =	vld [tilespmem:$0x90];
	_ =	sdelay $0x4  }
0x7e: {  	v59 =	vshll.u32 v3, $0x3  }
0x7f: {  	v3 =	vand.u32 $0x7, v3;
	v4 =	vand.u32 $0xFFFFFFC0, v59  }
0x80: {  	v3 =	vor.u32 v3, v4  }
0x81: {  	v4 =	vperm.xlane v3, v0;
	_ =	sdelay $0x1  }
0x82: {  	v4 =	vadd.s32 v1, v4;
	_ =	sdelay $0x3  }
0x83: {  	s1 =	rddreg [dreg:$0x15]  }
0x84: {  	[tilespmem:s1], [sflag:$0x2] =	stream.indirect_vreg.gather [hbm4b:s3+s2], $0x80, v4, vm0, $0xb8;
	[tilespmem:$0x18200] =	vst v63  }
0x85: {  	s29 =	rddreg [dreg:$0x16];
	v3 =	vperm.xlane v3, v2  }
0x86: {  	[tilespmem:s29], [sflag:$0x2] =	stream.indirect_vreg.gather [hbm4b:s4+s2], $0x80, v4, vm0, $0xb8;
	[tilespmem:$0x18200] =	vst v63  }
0x87: {  	v3 =	vadd.s32 v1, v3;
	s1 =	rddreg [dreg:$0x17]  }
0x88: {  	[tilespmem:s1], [sflag:$0x2] =	stream.indirect_vreg.gather [hbm4b:s5+s2], $0x80, v4, vm0, $0xb8;
	[tilespmem:$0x18200] =	vst v63  }
0x89: {  	s29 =	rddreg [dreg:$0x18]  }
0x8a: {  	[tilespmem:s29], [sflag:$0x2] =	stream.indirect_vreg.gather [hbm4b:s6+s2], $0x80, v4, vm0, $0xb8;
	[tilespmem:$0x18200] =	vst v63  }
0x8b: {  	s1 =	rddreg [dreg:$0x19]  }
0x8c: {  	[tilespmem:s1], [sflag:$0x2] =	stream.indirect_vreg.gather [hbm4b:s3+s2], $0x80, v3, vm0, $0xb8;
	[tilespmem:$0x18200] =	vst v63  }
0x8d: {  	s29 =	rddreg [dreg:$0x1a]  }
0x8e: {  	[tilespmem:s29], [sflag:$0x2] =	stream.indirect_vreg.gather [hbm4b:s4+s2], $0x80, v3, vm0, $0xb8;
	[tilespmem:$0x18200] =	vst v63  }
0x8f: {  	s1 =	rddreg [dreg:$0x1b]  }
0x90: {  	[tilespmem:s1], [sflag:$0x2] =	stream.indirect_vreg.gather [hbm4b:s5+s2], $0x80, v3, vm0, $0xb8;
	[tilespmem:$0x18200] =	vst v63  }
0x91: {  	s29 =	rddreg [dreg:$0x1c]  }
0x92: {  	[tilespmem:s29], [sflag:$0x2] =	stream.indirect_vreg.gather [hbm4b:s6+s2], $0x80, v3, vm0, $0xb8;
	[tilespmem:$0x18200] =	vst v63  }
0x93: {  	_ =	swait.ge [sflag:s26], $0x8000  }
0x94: {  	[sflag:s26] =	ssyncset.done $0x0  }
0x95: {  	[sflag:s26] =	ssyncadd.s32 $0xFFFF8000  }
0x96: {  	v3 =	vld [tilespmem:$0x100];
	_ =	sdelay $0x4  }
0x97: {  	v60 =	vshll.u32 v3, $0x3  }
0x98: {  	v3 =	vand.u32 $0x7, v3;
	v4 =	vand.u32 $0xFFFFFFC0, v60  }
0x99: {  	v3 =	vor.u32 v3, v4  }
0x9a: {  	v4 =	vperm.xlane v3, v0;
	_ =	sdelay $0x1  }
0x9b: {  	v4 =	vadd.s32 v1, v4;
	_ =	sdelay $0x3  }
0x9c: {  	s1 =	rddreg [dreg:$0x1d]  }
0x9d: {  	[tilespmem:s28], [sflag:$0x3] =	stream.indirect_vreg.gather [hbm4b:s3+s2], $0x80, v4, vm0, $0xb8;
	[tilespmem:$0x18200] =	vst v63  }
0x9e: {  	s29 =	rddreg [dreg:$0x1e];
	v3 =	vperm.xlane v3, v2  }
0x9f: {  	[tilespmem:s1], [sflag:$0x3] =	stream.indirect_vreg.gather [hbm4b:s4+s2], $0x80, v4, vm0, $0xb8;
	[tilespmem:$0x18200] =	vst v63  }
0xa0: {  	v3 =	vadd.s32 v1, v3;
	s1 =	rddreg [dreg:$0x1f]  }
0xa1: {  	[tilespmem:s29], [sflag:$0x3] =	stream.indirect_vreg.gather [hbm4b:s5+s2], $0x80, v4, vm0, $0xb8;
	[tilespmem:$0x18200] =	vst v63  }
0xa2: {  	s29 =	sld [smem:$0x7F4]  }
0xa3: {  	[tilespmem:s1], [sflag:$0x3] =	stream.indirect_vreg.gather [hbm4b:s6+s2], $0x80, v4, vm0, $0xb8;
	[tilespmem:$0x18200] =	vst v63  }
0xa4: {  	s1 =	sld [smem:$0x7F5]  }
0xa5: {  	[tilespmem:s29], [sflag:$0x3] =	stream.indirect_vreg.gather [hbm4b:s3+s2], $0x80, v3, vm0, $0xb8;
	[tilespmem:$0x18200] =	vst v63  }
0xa6: {  	s29 =	sld [smem:$0x7F6]  }
0xa7: {  	[tilespmem:s1], [sflag:$0x3] =	stream.indirect_vreg.gather [hbm4b:s4+s2], $0x80, v3, vm0, $0xb8;
	[tilespmem:$0x18200] =	vst v63  }
0xa8: {  	s1 =	sld [smem:$0x7F7]  }
0xa9: {  	[tilespmem:s29], [sflag:$0x3] =	stream.indirect_vreg.gather [hbm4b:s5+s2], $0x80, v3, vm0, $0xb8;
	[tilespmem:$0x18200] =	vst v63  }
0xaa: {  	_ = 	snop  }
0xab: {  	[tilespmem:s1], [sflag:$0x3] =	stream.indirect_vreg.gather [hbm4b:s6+s2], $0x80, v3, vm0, $0xb8;
	[tilespmem:$0x18200] =	vst v63  }
0xac: {  	v3 =	vld [tilespmem:$0x110];
	_ =	sdelay $0x4  }
0xad: {  	v61 =	vshll.u32 v3, $0x3  }
0xae: {  	v3 =	vand.u32 $0x7, v3;
	v4 =	vand.u32 $0xFFFFFFC0, v61  }
0xaf: {  	v3 =	vor.u32 v3, v4  }
0xb0: {  	v4 =	vperm.xlane v3, v0;
	_ =	sdelay $0x1  }
0xb1: {  	v4 =	vadd.s32 v1, v4;
	_ =	sdelay $0x1  }
0xb2: {  	s1 =	sld [smem:$0x7F8];
	_ =	sdelay $0x1  }
0xb3: {  	s29 =	sld [smem:$0x7F9]  }
0xb4: {  	[tilespmem:s1], [sflag:$0x3] =	stream.indirect_vreg.gather [hbm4b:s3+s2], $0x80, v4, vm0, $0xb8;
	[tilespmem:$0x18200] =	vst v63  }
0xb5: {  	v3 =	vperm.xlane v3, v2;
	s1 =	sld [smem:$0x7FA]  }
0xb6: {  	[tilespmem:s29], [sflag:$0x3] =	stream.indirect_vreg.gather [hbm4b:s4+s2], $0x80, v4, vm0, $0xb8;
	[tilespmem:$0x18200] =	vst v63  }
0xb7: {  	v3 =	vadd.s32 v1, v3;
	s29 =	sld [smem:$0x7FB]  }
0xb8: {  	[tilespmem:s1], [sflag:$0x3] =	stream.indirect_vreg.gather [hbm4b:s5+s2], $0x80, v4, vm0, $0xb8;
	[tilespmem:$0x18200] =	vst v63  }
0xb9: {  	s1 =	sld [smem:$0x7FC]  }
0xba: {  	[tilespmem:s29], [sflag:$0x3] =	stream.indirect_vreg.gather [hbm4b:s6+s2], $0x80, v4, vm0, $0xb8;
	[tilespmem:$0x18200] =	vst v63  }
0xbb: {  	s29 =	sld [smem:$0x7FD]  }
0xbc: {  	[tilespmem:s1], [sflag:$0x3] =	stream.indirect_vreg.gather [hbm4b:s3+s2], $0x80, v3, vm0, $0xb8;
	[tilespmem:$0x18200] =	vst v63  }
0xbd: {  	_ = 	snop  }
0xbe: {  	[tilespmem:s29], [sflag:$0x3] =	stream.indirect_vreg.gather [hbm4b:s4+s2], $0x80, v3, vm0, $0xb8;
	[tilespmem:$0x18200] =	vst v63  }
0xbf: {  	s29 =	simm.s32 $0x17200  }
0xc0: {  	[tilespmem:s29], [sflag:$0x3] =	stream.indirect_vreg.gather [hbm4b:s5+s2], $0x80, v3, vm0, $0xb8;
	[tilespmem:$0x18200] =	vst v63  }
0xc1: {  	_ = 	snop  }
0xc2: {  	[tilespmem:s30], [sflag:$0x3] =	stream.indirect_vreg.gather [hbm4b:s6+s2], $0x80, v3, vm0, $0xb8;
	[tilespmem:$0x18200] =	vst v63  }
0xc3: {  	s29 =	rddreg [dreg:$0x7]  }
0xc4: {  	[hbm4b:s29+s2] =	stream.linear.scatter [tilespmem:s9], [sflag:$0x4], $0x8000, $0x38;
	[tilespmem:$0x18200] =	vst v63  }
0xc5: {  	_ =	swait.ge [sflag:s8], $0x8000  }
0xc6: {  	[sflag:s8] =	ssyncset.done $0x0  }
0xc7: {  	[sflag:s8] =	ssyncadd.s32 $0xFFFF8000  }
0xc8: {  	_ =	swait.ge [sflag:s31], $0x8000  }
0xc9: {  	[sflag:s31] =	ssyncset.done $0x0  }
0xca: {  	[sflag:s31] =	ssyncadd.s32 $0xFFFF8000  }
0xcb: {  	v3 =	vld [tilespmem:$0x180];
	_ =	sdelay $0x4  }
0xcc: {  	v62 =	vshll.u32 v3, $0x3  }
0xcd: {  	v3 =	vand.u32 $0x7, v3;
	v4 =	vand.u32 $0xFFFFFFC0, v62  }
0xce: {  	v3 =	vor.u32 v3, v4  }
0xcf: {  	v4 =	vperm.xlane v3, v0;
	_ =	sdelay $0x1  }
0xd0: {  	v4 =	vadd.s32 v1, v4;
	_ =	sdelay $0x4  }
0xd1: {  	[tilespmem:s9], [sflag:$0x1] =	stream.indirect_vreg.gather [hbm4b:s3+s2], $0x80, v4, vm0, $0xb8;
	[tilespmem:$0x18200] =	vst v63  }
0xd2: {  	v3 =	vperm.xlane v3, v2  }
0xd3: {  	[tilespmem:s10], [sflag:$0x1] =	stream.indirect_vreg.gather [hbm4b:s4+s2], $0x80, v4, vm0, $0xb8;
	[tilespmem:$0x18200] =	vst v63  }
0xd4: {  	v3 =	vadd.s32 v1, v3  }
0xd5: {  	[tilespmem:s11], [sflag:$0x1] =	stream.indirect_vreg.gather [hbm4b:s5+s2], $0x80, v4, vm0, $0xb8;
	[tilespmem:$0x18200] =	vst v63  }
0xd6: {  	_ = 	snop  }
0xd7: {  	[tilespmem:s12], [sflag:$0x1] =	stream.indirect_vreg.gather [hbm4b:s6+s2], $0x80, v4, vm0, $0xb8;
	[tilespmem:$0x18200] =	vst v63  }
0xd8: {  	_ = 	snop  }
0xd9: {  	[tilespmem:s13], [sflag:$0x1] =	stream.indirect_vreg.gather [hbm4b:s3+s2], $0x80, v3, vm0, $0xb8;
	[tilespmem:$0x18200] =	vst v63  }
0xda: {  	_ = 	snop  }
0xdb: {  	[tilespmem:s14], [sflag:$0x1] =	stream.indirect_vreg.gather [hbm4b:s4+s2], $0x80, v3, vm0, $0xb8;
	[tilespmem:$0x18200] =	vst v63  }
0xdc: {  	_ = 	snop  }
0xdd: {  	[tilespmem:s15], [sflag:$0x1] =	stream.indirect_vreg.gather [hbm4b:s5+s2], $0x80, v3, vm0, $0xb8;
	[tilespmem:$0x18200] =	vst v63  }
0xde: {  	_ = 	snop  }
0xdf: {  	[tilespmem:s16], [sflag:$0x1] =	stream.indirect_vreg.gather [hbm4b:s6+s2], $0x80, v3, vm0, $0xb8;
	[tilespmem:$0x18200] =	vst v63  }
0xe0: {  	v3 =	vld [tilespmem:$0x190];
	_ =	sdelay $0x4  }
0xe1: {  	v63 =	vshll.u32 v3, $0x3  }
0xe2: {  	v3 =	vand.u32 $0x7, v3;
	v4 =	vand.u32 $0xFFFFFFC0, v63  }
0xe3: {  	v3 =	vor.u32 v3, v4  }
0xe4: {  	v4 =	vperm.xlane v3, v0;
	_ =	sdelay $0x1  }
0xe5: {  	v4 =	vadd.s32 v1, v4;
	_ =	sdelay $0x4  }
0xe6: {  	[tilespmem:s17], [sflag:$0x1] =	stream.indirect_vreg.gather [hbm4b:s3+s2], $0x80, v4, vm0, $0xb8;
	[tilespmem:$0x18200] =	vst v63  }
0xe7: {  	v3 =	vperm.xlane v3, v2  }
0xe8: {  	[tilespmem:s18], [sflag:$0x1] =	stream.indirect_vreg.gather [hbm4b:s4+s2], $0x80, v4, vm0, $0xb8;
	[tilespmem:$0x18200] =	vst v63  }
0xe9: {  	v3 =	vadd.s32 v1, v3  }
0xea: {  	[tilespmem:s19], [sflag:$0x1] =	stream.indirect_vreg.gather [hbm4b:s5+s2], $0x80, v4, vm0, $0xb8;
	[tilespmem:$0x18200] =	vst v63  }
0xeb: {  	_ = 	snop  }
0xec: {  	[tilespmem:s20], [sflag:$0x1] =	stream.indirect_vreg.gather [hbm4b:s6+s2], $0x80, v4, vm0, $0xb8;
	[tilespmem:$0x18200] =	vst v63  }
0xed: {  	_ = 	snop  }
0xee: {  	[tilespmem:s21], [sflag:$0x1] =	stream.indirect_vreg.gather [hbm4b:s3+s2], $0x80, v3, vm0, $0xb8;
	[tilespmem:$0x18200] =	vst v63  }
0xef: {  	_ = 	snop  }
0xf0: {  	[tilespmem:s22], [sflag:$0x1] =	stream.indirect_vreg.gather [hbm4b:s4+s2], $0x80, v3, vm0, $0xb8;
	[tilespmem:$0x18200] =	vst v63  }
0xf1: {  	_ = 	snop  }
0xf2: {  	[tilespmem:s23], [sflag:$0x1] =	stream.indirect_vreg.gather [hbm4b:s5+s2], $0x80, v3, vm0, $0xb8;
	[tilespmem:$0x18200] =	vst v63  }
0xf3: {  	_ = 	snop  }
0xf4: {  	[tilespmem:s24], [sflag:$0x1] =	stream.indirect_vreg.gather [hbm4b:s6+s2], $0x80, v3, vm0, $0xb8;
	[tilespmem:$0x18200] =	vst v63  }
0xf5: {  	s29 =	rddreg [dreg:$0x8]  }
0xf6: {  	[hbm4b:s29+s2] =	stream.linear.scatter [tilespmem:s25], [sflag:$0x4], $0x8000, $0x38;
	[tilespmem:$0x18200] =	vst v63  }
0xf7: {  	_ =	swait.ge [sflag:s8], $0x8000  }
0xf8: {  	[sflag:s8] =	ssyncset.done $0x0  }
0xf9: {  	[sflag:s8] =	ssyncadd.s32 $0xFFFF8000  }
0xfa: {  	_ =	swait.ge [sflag:s0], $0x8000  }
0xfb: {  	[sflag:s0] =	ssyncset.done $0x0  }
0xfc: {  	s29 =	rddreg [dreg:$0x9];
	[sflag:s0] =	ssyncadd.s32 $0xFFFF8000  }
0xfd: {  	[hbm4b:s29+s2] =	stream.linear.scatter [tilespmem:s28], [sflag:$0x4], $0x8000, $0x38;
	[tilespmem:$0x18200] =	vst v63  }
0xfe: {  	_ =	swait.ge [sflag:s8], $0x8000  }
0xff: {  	[sflag:s8] =	ssyncset.done $0x0  }
0x100: {  	[sflag:s8] =	ssyncadd.s32 $0xFFFF8000  }
0x101: {  	_ =	swait.ge [sflag:s26], $0x8000  }
0x102: {  	p0 =	sne.s32 s7, $0x1;
	[sflag:s26] =	ssyncset.done $0x0  }
.Ltmp0:
0x103: {  	s29 =	rddreg [dreg:$0xa];
	[sflag:s26] =	ssyncadd.s32 $0xFFFF8000;
	(pc) =	sbr.rel @p0 .LBB2_1-.Ltmp0, $4  }
0x104: {  	[hbm4b:s29+s2] =	stream.linear.scatter [tilespmem:s9], [sflag:$0x4], $0x8000, $0x38;
	[tilespmem:$0x18200] =	vst v63  }
0x105: {  	_ =	swait.ge [sflag:s8], $0x8000  }
0x106: {  	[sflag:s8] =	ssyncset.done $0x0  }
0x107: {  	s7 =	sadd.s32 $0xFFFFFFFF, s7;
	[sflag:s8] =	ssyncadd.s32 $0xFFFF8000  }
0x108: {  	_ =	sfence.sel $0x180000  }
0x109: {  	[bflag:$0x0] =	sbarrier.arrive $0xFFFF  }
0x10a: {  	_ =	strace $0x9000004A  }
0x10b: {  	s0 =	stileid.u32;
	[bflag:$0x2] =	sbarrier.arrive $0xFFFF  }
0x10c: {  	p0 =	sne.s32 s0, $0x0;
	s0 =	rddreg [dreg:$0x2]  }
0x10d: {  	s0 =	sadd.s32 @!p0 $0x100000, s0  }
0x10e: {  	[sflag:s0] =	ssyncadd.tile.s32 @!p0 $0x1;
	_ =	shalt  }
.Lfunc_end2:
_tile_overlayer_lowered:
.L_overlay_start_2:
0x10f: {  	(tag) =	ssettag $0x2  }
0x110: {  	s0 =	rddreg [dreg:$0x0];
	s2 =	stileid.u32  }
0x111: {  	s1 =	rddreg [dreg:$0x1];
	p0 =	sne.s32 s2, $0x0  }
0x112: {  	s3 =	rddreg [dreg:$0x2];
	[bflag:$0x3] =	sbarrier.arrive $0xFFFF;
	s2 =	simm.s32 @!p0 $0x1C04  }
0x113: {  	[timem:s3], [sflag:s2] =	dma.local @!p0 [hbm:s0], s1  }
0x114: {  	s0 =	simm.s32 @!p0 $0x4  }
0x115: {  	_ =	swait.ge @!p0 [sflag:s0], s1  }
0x116: {  	s1 =	ssub.s32 @!p0 $0x0, s1;
	[sflag:s0] =	ssyncset.done @!p0 $0x0  }
0x117: {  	[sflag:s0] =	ssyncadd.s32 @!p0 s1  }
0x118: {  	[bflag:$0x3] =	sbarrier.arrive $0xFFFF  }
0x119: {  	_ =	shalt  }

// kernel: kernel.8.cloned.1.call-start
scs
__scs_entry_jumppad:
0x0: {  	(pc) =	sbr.rel $0x88, $3  }
0x1: {  	(tag) =	ssettag $0x0;
	lr =	simm.s32 $0x1  }
0x2: {  	[smem:$0x3F9A] =	sst lr;
	_ =	strace $0xD0000000  }
0x3: {  	_ = 	snop  }
0x4: {  	_ = 	snop  }
0x5: {  	_ = 	snop  }
0x6: {  	_ = 	snop  }
0x7: {  	_ = 	snop  }
__scs_overlays_trampoline_lowered:
0x8: {  	[smem:$0x3FA9] =	sst s0  }
0x9: {  	[smem:$0x3FAA] =	sst s1  }
0xa: {  	[smem:$0x3FAB] =	sst s2  }
0xb: {  	[smem:$0x3FAC] =	sst s3  }
0xc: {  	[smem:$0x3FAD] =	sst s4  }
0xd: {  	[smem:$0x3FAE] =	sst s5  }
0xe: {  	[smem:$0x3FAF] =	sst s6  }
0xf: {  	[smem:$0x3FB0] =	sst s7  }
0x10: {  	[smem:$0x3FB1] =	sst s8  }
0x11: {  	[smem:$0x3FB2] =	sst s9;
	s0 =	simm.s32 @!p0 $0x0  }
0x12: {  	s1 =	sld [smem:$0x3F98];
	s0 =	simm.s32 @p0 $0x1  }
0x13: {  	[smem:$0x3FB3] =	sst s0;
	s0 =	simm.s32 @!p1 $0x0  }
0x14: {  	s2 =	sld [smem:$0x3F97];
	s0 =	simm.s32 @p1 $0x1  }
0x15: {  	[smem:$0x3FB4] =	sst s0;
	s0 =	simm.s32 @!p2 $0x0  }
0x16: {  	s3 =	sld [smem:$0x3FDB];
	s0 =	simm.s32 @p2 $0x1  }
0x17: {  	s4 =	simm.s32 $0x1BF5;
	[smem:$0x3FB6] =	sst s0  }
0x18: {  	s0 =	sld [smem:$0x3F99];
	_ =	swait.ge [sflag:s4], $0x0  }
0x19: {  	s7 =	sld [smem:$0x3F9A]  }
0x1a: {  	s8 =	sadd.s32 $0xFFFFE003, lr  }
0x1b: {  	s9 =	sadd.s32 $0xFFFFFEF7, lr;
	s5 =	simm.s32 $0xFFFFFFFF;
	p2 =	slt.u32 s8, $0xFFFFF086  }
0x1c: {  	p1 =	slt.u32 s9, $0xF7A;
	s5 =	simm.s32 @!p2 $0x0  }
0x1d: {  	s5 =	simm.s32 @p1 $0x1;
	p0 =	seq.s32 s7, s2  }
0x1e: {  	s7 =	smul.u32 @!p0 $0xF7A, s2;
	p2 =	seq.s32 @!p0 s5, $0x0  }
0x1f: {  	s9 =	smul.u32 $0xF7A, s1;
	s8 =	simm.s32 @!p0 $0x1BF5;
	p2 =	por !p2, p0  }
0x20: {  	[sflag:s8] =	ssyncset.s32 @!p0 $0xFFFFF086;
	s6 =	sadd.s32 @!p0 s3, s7;
	s7 =	simm.s32 @!p0 $0x108  }
0x21: {  	s3 =	sadd.s32 s3, s9;
	s6 =	sadd.s32 @!p0 $0x88, s6;
	s7 =	simm.s32 @p2 $0x1082  }
0x22: {  	[simem:s7], [sflag:s8] =	dma.local @!p0 [hbm:s6], $0xF7A  }
0x23: {  	s9 =	sor.u32 $0xD0000000, s2;
	s6 =	simm.s32 $0x108;
	_ =	swait.ge @!p0 [sflag:s8], $0x0  }
0x24: {  	s3 =	sadd.s32 $0x88, s3;
	s6 =	simm.s32 @!p1 $0x1082;
	[sflag:s4] =	ssyncset.s32 $0xFFFFF086  }
0x25: {  	[simem:s6], [sflag:s4] =	dma.local [hbm:s3], $0xF7A  }
0x26: {  	[smem:$0x3F9A] =	sst s1;
	(tag) =	ssettag s2;
	_ =	strace s9  }
0x27: {  	s1 =	sld [smem:$0x3FAA]  }
0x28: {  	s2 =	sld [smem:$0x3FAB]  }
0x29: {  	s4 =	sld [smem:$0x3FAD]  }
0x2a: {  	p0 =	seq.s32 s5, $0x0;
	s5 =	sld [smem:$0x3FAE]  }
0x2b: {  	s6 =	sld [smem:$0x3FAF]  }
0x2c: {  	s7 =	sld [smem:$0x3FB0]  }
0x2d: {  	s3 =	simm.s32 $0x108;
	s8 =	sld [smem:$0x3FB1]  }
0x2e: {  	s3 =	simm.s32 @!p0 $0x1082;
	s9 =	sld [smem:$0x3FB2]  }
0x2f: {  	lr =	sadd.s32 s0, s3;
	s0 =	sld [smem:$0x3FA9]  }
0x30: {  	s3 =	sld [smem:$0x3FAC]  }
0x31: {  	[smem:$0x3FB5] =	sst s10  }
0x32: {  	s10 =	sld [smem:$0x3FB3];
	_ =	sdelay $0x3  }
0x33: {  	p0 =	seq.s32 s10, $0x1;
	s10 =	sld [smem:$0x3FB5];
	_ =	sdelay $0x3  }
0x34: {  	[smem:$0x3FB5] =	sst s10  }
0x35: {  	s10 =	sld [smem:$0x3FB4];
	_ =	sdelay $0x3  }
0x36: {  	p1 =	seq.s32 s10, $0x1;
	s10 =	sld [smem:$0x3FB5];
	_ =	sdelay $0x3  }
0x37: {  	[smem:$0x3FB5] =	sst s10  }
0x38: {  	s10 =	sld [smem:$0x3FB6]  }
0x39: {  	_ = 	snop;
	(pc) =	sbr.ind lr, $3  }
0x3a: {  	_ = 	snop  }
0x3b: {  	_ = 	snop  }
0x3c: {  	p2 =	seq.s32 s10, $0x1;
	s10 =	sld [smem:$0x3FB5]  }
0x3d: {  	_ =	shalt  }
0x3e: {  	_ =	shalt  }
0x3f: {  	_ =	shalt  }
0x40: {  	_ =	shalt  }
0x41: {  	_ =	shalt  }
0x42: {  	_ =	shalt  }
0x43: {  	_ =	shalt  }
0x44: {  	_ =	shalt  }
0x45: {  	_ =	shalt  }
0x46: {  	_ =	shalt  }
0x47: {  	_ =	shalt  }
0x48: {  	_ =	shalt  }
0x49: {  	_ =	shalt  }
0x4a: {  	_ =	shalt  }
0x4b: {  	_ =	shalt  }
0x4c: {  	_ =	shalt  }
0x4d: {  	_ =	shalt  }
0x4e: {  	_ =	shalt  }
0x4f: {  	_ =	shalt  }
0x50: {  	_ =	shalt  }
0x51: {  	_ =	shalt  }
0x52: {  	_ =	shalt  }
0x53: {  	_ =	shalt  }
0x54: {  	_ =	shalt  }
0x55: {  	_ =	shalt  }
0x56: {  	_ =	shalt  }
0x57: {  	_ =	shalt  }
0x58: {  	_ =	shalt  }
0x59: {  	_ =	shalt  }
0x5a: {  	_ =	shalt  }
0x5b: {  	_ =	shalt  }
0x5c: {  	_ =	shalt  }
0x5d: {  	_ =	shalt  }
0x5e: {  	_ =	shalt  }
0x5f: {  	_ =	shalt  }
0x60: {  	_ =	shalt  }
0x61: {  	_ =	shalt  }
0x62: {  	_ =	shalt  }
0x63: {  	_ =	shalt  }
0x64: {  	_ =	shalt  }
0x65: {  	_ =	shalt  }
0x66: {  	_ =	shalt  }
0x67: {  	_ =	shalt  }
0x68: {  	_ =	shalt  }
0x69: {  	_ =	shalt  }
0x6a: {  	_ =	shalt  }
0x6b: {  	_ =	shalt  }
0x6c: {  	_ =	shalt  }
0x6d: {  	_ =	shalt  }
0x6e: {  	_ =	shalt  }
0x6f: {  	_ =	shalt  }
0x70: {  	_ =	shalt  }
0x71: {  	_ =	shalt  }
0x72: {  	_ =	shalt  }
0x73: {  	_ =	shalt  }
0x74: {  	_ =	shalt  }
0x75: {  	_ =	shalt  }
0x76: {  	_ =	shalt  }
0x77: {  	_ =	shalt  }
0x78: {  	_ =	shalt  }
0x79: {  	_ =	shalt  }
0x7a: {  	_ =	shalt  }
0x7b: {  	_ =	shalt  }
0x7c: {  	_ =	shalt  }
0x7d: {  	_ =	shalt  }
0x7e: {  	_ =	shalt  }
0x7f: {  	_ =	shalt  }
0x80: {  	_ =	shalt  }
0x81: {  	_ =	shalt  }
0x82: {  	_ =	shalt  }
0x83: {  	_ =	shalt  }
0x84: {  	_ =	shalt  }
0x85: {  	_ =	shalt  }
0x86: {  	_ =	shalt  }
0x87: {  	_ =	shalt  }
.Lfunc_end0:
.L_simem_size_0:
called_computation_lowered:
.L_overlay_start_0:
0x88: {  	s2 =	sld [smem:$0x3FD9]  }
0x89: {  	s3 =	sld [smem:$0x3FFE];
	_ =	sdelay $0x1  }
0x8a: {  	s1 =	srdreg.scid  }
0x8b: {  	s0 =	sand.u32 $0x1, s1  }
0x8c: {  	s17 =	sshll.u32 s0, $0xA;
	s2 =	sadd.s32 s3, s2  }
0x8d: {  	s2 =	sadd.s32 s2, s17  }
0x8e: {  	[smem:$0x3FC1] =	sst s2  }
0x8f: {  	_ = 	snop  }
0x90: {  	s2 =	sld [smem:$0x3FC9];
	(tm) =	ssettm $0x1  }
0x91: {  	s18 =	sld [smem:$0x3FFB];
	_ =	sdelay $0x3  }
0x92: {  	_ =	strace s18  }
0x93: {  	s3 =	sld [smem:$0x3FFC];
	_ =	sdelay $0x3  }
0x94: {  	_ =	strace s3  }
0x95: {  	s3 =	sld [smem:$0x3FFD];
	_ =	sdelay $0x3  }
0x96: {  	_ =	strace s3  }
0x97: {  	_ =	strace $0x8FFFFFFF  }
0x98: {  	s19 =	sld [smem:$0x3FDB];
	_ =	sdelay $0x1  }
0x99: {  	s4 =	simm.s32 $_scs_section_size  }
0x9a: {  	s5 =	simm.s32 $_size__tile_overlayer_lowered;
	s6 =	simm.s32 $_tile_overlayer_lowered  }
0x9b: {  	s22 =	simm.s32 $0x1BFF;
	s21 =	sshll.u32 s6, $0x1;
	s3 =	sadd.s32 s4, s19  }
0x9c: {  	s7 =	simm.s32 $0x0;
	s20 =	sshll.u32 s5, $0x1;
	s5 =	sadd.s32 s21, s3  }
0x9d: {  	[timem:s7], [sflag:s22] =	dma.local [hbm:s5], s20  }
0x9e: {  	_ =	swait.ge [sflag:s22], s20  }
0x9f: {  	s4 =	ssub.s32 $0x0, s20;
	[sflag:s22] =	ssyncset.done $0x0  }
0xa0: {  	[sflag:s22] =	ssyncadd.s32 s4;
	_ =	sdelay $0x1  }
0xa1: {  	s23 =	simm.s32 $0x1B8B  }
0xa2: {  	_ =	swait.ge [sflag:s23], $0x1  }
0xa3: {  	[sflag:s23] =	ssyncset.done $0x0  }
0xa4: {  	s25 =	simm.s32 $0x1B8E;
	s24 =	sld [smem:$0x3FFE];
	[sflag:s23] =	ssyncadd.s32 $0xFFFFFFFF  }
0xa5: {  	s26 =	simm.s32 $execute0_lowered;
	[smem:$0x3FD2] =	sst s25  }
0xa6: {  	s5 =	sshll.u32 s26, $0x1;
	_ =	strace $0x80000046;
	[dreg:$0x1] =	wrdreg $0xFFFFFFFF  }
0xa7: {  	s28 =	simm.s32 $_size_execute0_lowered;
	s3 =	sadd.s32 s3, s5;
	[dreg:$0x0] =	wrdreg $0x0  }
0xa8: {  	s5 =	sshll.u32 s28, $0x1;
	[dreg:$0x2] =	wrdreg s3  }
0xa9: {  	[dreg:$0x3] =	wrdreg s5  }
0xaa: {  	[dreg:$0x4] =	wrdreg $0xC0  }
0xab: {  	_ =	task [dreg:s7], $0x5FFFF  }
0xac: {  	[dreg:$0x1] =	wrdreg $0xFFFFFFFF  }
0xad: {  	[dreg:$0x0] =	wrdreg $0x60  }
0xae: {  	[dreg:$0x2] =	wrdreg s2  }
0xaf: {  	[dreg:$0x3] =	wrdreg s24  }
0xb0: {  	[dreg:$0x4] =	wrdreg $0x9  }
0xb1: {  	_ =	task.clear_ibuf [dreg:s7], $0x5FFFF;
	_ =	strace $0x90000046  }
0xb2: {  	s29 =	simm.s32 $0x9;
	_ =	strace $0x80000048  }
0xb3: {  	_ =	swait.ge [sflag:s29], $0x1  }
0xb4: {  	[sflag:s29] =	ssyncadd.s32 $0xFFFFFFFF  }
0xb5: {  	_ =	strace $0x90000048  }
0xb6: {  	_ =	sfence  }
0xb7: {  	s30 =	sld [smem:$0x0];
	_ =	sdelay $0x2  }
0xb8: {  	s31 =	sshll.u32 s1, $0xD;
	s1 =	sshrl.u32 s1, $0x2  }
0xb9: {  	s3 =	sand.u32 $0x4000, s31;
	s1 =	sadd.s32 s1, s30  }
0xba: {  	s0 =	sor.u32 s3, s0;
	s1 =	sshll.u32 s1, $0x11  }
0xbb: {  	s0 =	sor.u32 s1, s0  }
0xbc: {  	s0 =	sadd.s32 $0x8F2B, s0  }
0xbd: {  	[sflag:s0] =	ssyncadd.remote.s32 $0x1  }
0xbe: {  	_ =	sfence.sel $0xFFFF  }
0xbf: {  	[dreg:$0x0] =	wrdreg $0xFFFFFFFF;
	(pc) =	sbr.abs _section_cstart, $3  }
0xc0: {  	[dreg:$0x1] =	wrdreg $0xFFFFFFFF  }
0xc1: {  	_ =	task.clear_ibuf [dreg:s7], $0x2FFFF;
	_ =	strace $0x9FFFFFFF  }
0xc2: {  	(tm) =	ssettm $0x7FFFFFFF  }
0xc3: {  	_ =	shalt  }
tec
execute0_lowered:
.L_overlay_start_1:
0x0: {  	(tag) =	ssettag $0x1  }
0x1: {  	s0 =	srdreg.scid  }
0x2: {  	s1 =	rddreg [dreg:$0x0];
	s2 =	stileid.u32  }
0x3: {  	s6 =	rddreg [dreg:$0x1];
	s26 =	simm.s32 $0x80;
	s8 =	simm.s32 $0x2  }
0x4: {  	s18 =	simm.s32 $0x100;
	s21 =	simm.s32 $0x1900;
	s22 =	simm.s32 $0x2100  }
0x5: {  	s23 =	simm.s32 $0x2900;
	s24 =	simm.s32 $0x3100;
	s28 =	simm.s32 $0x4900  }
0x6: {  	s29 =	simm.s32 $0x5100;
	s30 =	simm.s32 $0x5900;
	s31 =	simm.s32 $0x6100  }
0x7: {  	s10 =	simm.s32 $0x7900;
	s11 =	simm.s32 $0x8100;
	s12 =	simm.s32 $0x8900  }
0x8: {  	s13 =	simm.s32 $0x9100;
	s14 =	simm.s32 $0x9900;
	s15 =	simm.s32 $0xA100  }
0x9: {  	s16 =	simm.s32 $0xA900;
	s17 =	simm.s32 $0xB100;
	s9 =	simm.s32 $0xB900  }
0xa: {  	s0 =	sand.u32 $0x1, s0;
	s3 =	sshll.u32 s2, $0x7;
	s2 =	simm.s32 $0x0  }
0xb: {  	s4 =	sshll.u32 s0, $0x6;
	[smem:$0x7FF] =	sst s2;
	s0 =	ssub.s32 $0x2, s0  }
0xc: {  	s4 =	sor.u32 s4, s3;
	_ =	strace $0x80000047;
	s25 =	sshrl.u32 s0, $0x1  }
0xd: {  	[dreg:$0x6] =	wrdreg s26;
	s3 =	sshrl.u32 s4, $0x3;
	s4 =	sshll.u32 s4, $0x7  }
0xe: {  	s26 =	simm.s32 $0x4100;
	s5 =	sadd.s32 s3, s6;
	s1 =	sadd.s32 s1, s4  }
0xf: {  	s0 =	ssub.s32 s0, s25;
	s7 =	sadd.s32 $0x12600, s5;
	[dreg:$0x5] =	wrdreg s1  }
0x10: {  	v2 =	vlaneseq.u32;
	s25 =	simm.s32 $0x3900;
	s5 =	sadd.s32 $0x12800, s5;
	[dreg:$0x3] =	wrdreg s7  }
0x11: {  	vm0 =	vmmov $0xffff;
	v1 =	vshrl.u32 v2, $0x3;
	s3 =	sadd.s32 $0x12A00, s6;
	s4 =	sadd.s32 $0x12B00, s6;
	[dreg:$0x4] =	wrdreg s5  }
0x12: {  	v0 =	vand.u32 $0x7, v2;
	v2 =	vor.u32 $0x8, v2;
	v1 =	vmul.u32 $0x8, v1;
	s5 =	sadd.s32 $0x12C00, s6;
	s6 =	sadd.s32 $0x12D00, s6;
	s7 =	smax.u32 s0, $0x1  }
.LBB2_1:
0x13: {  	s19 =	rddreg [dreg:$0x3]  }
0x14: {  	[tilespmem:s2], [sflag:$0x2] =	stream.linear.gather [hbm4b:s19+s2], $0x40, $0x38;
	[tilespmem:$0x10100] =	vst v63  }
0x15: {  	_ =	swait.ge [sflag:s8], $0x40  }
0x16: {  	s0 =	rddreg [dreg:$0x4];
	[sflag:s8] =	ssyncset.done $0x0  }
0x17: {  	s20 =	rddreg [dreg:$0x6];
	[sflag:s8] =	ssyncadd.s32 $0xFFFFFFC0  }
0x18: {  	[tilespmem:s20], [sflag:$0x2] =	stream.linear.gather [hbm4b:s0+s2], $0x40, $0x38;
	[tilespmem:$0x10100] =	vst v63  }
0x19: {  	_ =	swait.ge [sflag:s8], $0x40  }
0x1a: {  	[sflag:s8] =	ssyncset.done $0x0  }
0x1b: {  	s1 =	rddreg [dreg:$0x5];
	[sflag:s8] =	ssyncadd.s32 $0xFFFFFFC0  }
0x1c: {  	[tilespmem:s18], [sflag:$0x2] =	stream.linear.gather [hbm4b:s1+s2], $0x10000, $0x38;
	[tilespmem:$0x10100] =	vst v63  }
0x1d: {  	_ =	swait.ge [sflag:s8], $0x10000  }
0x1e: {  	[sflag:s8] =	ssyncset.done $0x0  }
0x1f: {  	[sflag:s8] =	ssyncadd.s32 $0xFFFF0000  }
0x20: {  	v3 =	vld [tilespmem:$0x0];
	_ =	sdelay $0x4  }
0x21: {  	v4 =	vshll.u32 v3, $0x3  }
0x22: {  	v3 =	vand.u32 $0x7, v3;
	v4 =	vand.u32 $0xFFFFFFC0, v4  }
0x23: {  	v3 =	vor.u32 v3, v4  }
0x24: {  	v4 =	vperm.xlane v3, v0;
	_ =	sdelay $0x1  }
0x25: {  	v4 =	vadd.s32 v1, v4;
	_ =	sdelay $0x4  }
0x26: {  	[hbm4b:s3+s2] =	stream.indirect_vreg.scatter [tilespmem:s18], [sflag:$0x1], $0x80, v4, vm0, $0xb8;
	[tilespmem:$0x10100] =	vst v63  }
0x27: {  	s19 =	simm.s32 $0x900;
	v3 =	vperm.xlane v3, v2  }
0x28: {  	[hbm4b:s4+s2] =	stream.indirect_vreg.scatter [tilespmem:s19], [sflag:$0x1], $0x80, v4, vm0, $0xb8;
	[tilespmem:$0x10100] =	vst v63  }
0x29: {  	s20 =	simm.s32 $0x1100;
	v3 =	vadd.s32 v1, v3  }
0x2a: {  	[hbm4b:s5+s2] =	stream.indirect_vreg.scatter [tilespmem:s20], [sflag:$0x1], $0x80, v4, vm0, $0xb8;
	[tilespmem:$0x10100] =	vst v63  }
0x2b: {  	_ = 	snop  }
0x2c: {  	[hbm4b:s6+s2] =	stream.indirect_vreg.scatter [tilespmem:s21], [sflag:$0x1], $0x80, v4, vm0, $0xb8;
	[tilespmem:$0x10100] =	vst v63  }
0x2d: {  	_ = 	snop  }
0x2e: {  	[hbm4b:s3+s2] =	stream.indirect_vreg.scatter [tilespmem:s22], [sflag:$0x1], $0x80, v3, vm0, $0xb8;
	[tilespmem:$0x10100] =	vst v63  }
0x2f: {  	_ = 	snop  }
0x30: {  	[hbm4b:s4+s2] =	stream.indirect_vreg.scatter [tilespmem:s23], [sflag:$0x1], $0x80, v3, vm0, $0xb8;
	[tilespmem:$0x10100] =	vst v63  }
0x31: {  	_ = 	snop  }
0x32: {  	[hbm4b:s5+s2] =	stream.indirect_vreg.scatter [tilespmem:s24], [sflag:$0x1], $0x80, v3, vm0, $0xb8;
	[tilespmem:$0x10100] =	vst v63  }
0x33: {  	_ = 	snop  }
0x34: {  	[hbm4b:s6+s2] =	stream.indirect_vreg.scatter [tilespmem:s25], [sflag:$0x1], $0x80, v3, vm0, $0xb8;
	[tilespmem:$0x10100] =	vst v63  }
0x35: {  	v3 =	vld [tilespmem:$0x10];
	_ =	sdelay $0x4  }
0x36: {  	v57 =	vshll.u32 v3, $0x3  }
0x37: {  	v3 =	vand.u32 $0x7, v3;
	v4 =	vand.u32 $0xFFFFFFC0, v57  }
0x38: {  	v3 =	vor.u32 v3, v4  }
0x39: {  	v4 =	vperm.xlane v3, v0;
	_ =	sdelay $0x1  }
0x3a: {  	v4 =	vadd.s32 v1, v4;
	_ =	sdelay $0x4  }
0x3b: {  	[hbm4b:s3+s2] =	stream.indirect_vreg.scatter [tilespmem:s26], [sflag:$0x1], $0x80, v4, vm0, $0xb8;
	[tilespmem:$0x10100] =	vst v63  }
0x3c: {  	v3 =	vperm.xlane v3, v2  }
0x3d: {  	[hbm4b:s4+s2] =	stream.indirect_vreg.scatter [tilespmem:s28], [sflag:$0x1], $0x80, v4, vm0, $0xb8;
	[tilespmem:$0x10100] =	vst v63  }
0x3e: {  	v3 =	vadd.s32 v1, v3  }
0x3f: {  	[hbm4b:s5+s2] =	stream.indirect_vreg.scatter [tilespmem:s29], [sflag:$0x1], $0x80, v4, vm0, $0xb8;
	[tilespmem:$0x10100] =	vst v63  }
0x40: {  	_ = 	snop  }
0x41: {  	[hbm4b:s6+s2] =	stream.indirect_vreg.scatter [tilespmem:s30], [sflag:$0x1], $0x80, v4, vm0, $0xb8;
	[tilespmem:$0x10100] =	vst v63  }
0x42: {  	_ = 	snop  }
0x43: {  	[hbm4b:s3+s2] =	stream.indirect_vreg.scatter [tilespmem:s31], [sflag:$0x1], $0x80, v3, vm0, $0xb8;
	[tilespmem:$0x10100] =	vst v63  }
0x44: {  	s1 =	simm.s32 $0x6900  }
0x45: {  	[hbm4b:s4+s2] =	stream.indirect_vreg.scatter [tilespmem:s1], [sflag:$0x1], $0x80, v3, vm0, $0xb8;
	[tilespmem:$0x10100] =	vst v63  }
0x46: {  	s0 =	simm.s32 $0x7100  }
0x47: {  	[hbm4b:s5+s2] =	stream.indirect_vreg.scatter [tilespmem:s0], [sflag:$0x1], $0x80, v3, vm0, $0xb8;
	[tilespmem:$0x10100] =	vst v63  }
0x48: {  	_ = 	snop  }
0x49: {  	[hbm4b:s6+s2] =	stream.indirect_vreg.scatter [tilespmem:s10], [sflag:$0x1], $0x80, v3, vm0, $0xb8;
	[tilespmem:$0x10100] =	vst v63  }
0x4a: {  	v3 =	vld [tilespmem:$0x20];
	_ =	sdelay $0x4  }
0x4b: {  	v58 =	vshll.u32 v3, $0x3  }
0x4c: {  	v3 =	vand.u32 $0x7, v3;
	v4 =	vand.u32 $0xFFFFFFC0, v58  }
0x4d: {  	v3 =	vor.u32 v3, v4  }
0x4e: {  	v4 =	vperm.xlane v3, v0;
	_ =	sdelay $0x1  }
0x4f: {  	v4 =	vadd.s32 v1, v4;
	_ =	sdelay $0x4  }
0x50: {  	[hbm4b:s3+s2] =	stream.indirect_vreg.scatter [tilespmem:s11], [sflag:$0x1], $0x80, v4, vm0, $0xb8;
	[tilespmem:$0x10100] =	vst v63  }
0x51: {  	v3 =	vperm.xlane v3, v2  }
0x52: {  	[hbm4b:s4+s2] =	stream.indirect_vreg.scatter [tilespmem:s12], [sflag:$0x1], $0x80, v4, vm0, $0xb8;
	[tilespmem:$0x10100] =	vst v63  }
0x53: {  	v3 =	vadd.s32 v1, v3  }
0x54: {  	[hbm4b:s5+s2] =	stream.indirect_vreg.scatter [tilespmem:s13], [sflag:$0x1], $0x80, v4, vm0, $0xb8;
	[tilespmem:$0x10100] =	vst v63  }
0x55: {  	_ = 	snop  }
0x56: {  	[hbm4b:s6+s2] =	stream.indirect_vreg.scatter [tilespmem:s14], [sflag:$0x1], $0x80, v4, vm0, $0xb8;
	[tilespmem:$0x10100] =	vst v63  }
0x57: {  	_ = 	snop  }
0x58: {  	[hbm4b:s3+s2] =	stream.indirect_vreg.scatter [tilespmem:s15], [sflag:$0x1], $0x80, v3, vm0, $0xb8;
	[tilespmem:$0x10100] =	vst v63  }
0x59: {  	_ = 	snop  }
0x5a: {  	[hbm4b:s4+s2] =	stream.indirect_vreg.scatter [tilespmem:s16], [sflag:$0x1], $0x80, v3, vm0, $0xb8;
	[tilespmem:$0x10100] =	vst v63  }
0x5b: {  	_ = 	snop  }
0x5c: {  	[hbm4b:s5+s2] =	stream.indirect_vreg.scatter [tilespmem:s17], [sflag:$0x1], $0x80, v3, vm0, $0xb8;
	[tilespmem:$0x10100] =	vst v63  }
0x5d: {  	_ = 	snop  }
0x5e: {  	[hbm4b:s6+s2] =	stream.indirect_vreg.scatter [tilespmem:s9], [sflag:$0x1], $0x80, v3, vm0, $0xb8;
	[tilespmem:$0x10100] =	vst v63  }
0x5f: {  	v3 =	vld [tilespmem:$0x30];
	_ =	sdelay $0x4  }
0x60: {  	v59 =	vshll.u32 v3, $0x3  }
0x61: {  	v3 =	vand.u32 $0x7, v3;
	v4 =	vand.u32 $0xFFFFFFC0, v59  }
0x62: {  	v3 =	vor.u32 v3, v4  }
0x63: {  	v4 =	vperm.xlane v3, v0;
	_ =	sdelay $0x1  }
0x64: {  	v4 =	vadd.s32 v1, v4;
	_ =	sdelay $0x3  }
0x65: {  	s0 =	simm.s32 $0xC100  }
0x66: {  	[hbm4b:s3+s2] =	stream.indirect_vreg.scatter [tilespmem:s0], [sflag:$0x1], $0x80, v4, vm0, $0xb8;
	[tilespmem:$0x10100] =	vst v63  }
0x67: {  	v3 =	vperm.xlane v3, v2;
	s0 =	simm.s32 $0xC900  }
0x68: {  	[hbm4b:s4+s2] =	stream.indirect_vreg.scatter [tilespmem:s0], [sflag:$0x1], $0x80, v4, vm0, $0xb8;
	[tilespmem:$0x10100] =	vst v63  }
0x69: {  	v3 =	vadd.s32 v1, v3;
	s0 =	simm.s32 $0xD100  }
0x6a: {  	[hbm4b:s5+s2] =	stream.indirect_vreg.scatter [tilespmem:s0], [sflag:$0x1], $0x80, v4, vm0, $0xb8;
	[tilespmem:$0x10100] =	vst v63  }
0x6b: {  	s0 =	simm.s32 $0xD900  }
0x6c: {  	[hbm4b:s6+s2] =	stream.indirect_vreg.scatter [tilespmem:s0], [sflag:$0x1], $0x80, v4, vm0, $0xb8;
	[tilespmem:$0x10100] =	vst v63  }
0x6d: {  	s0 =	simm.s32 $0xE100  }
0x6e: {  	[hbm4b:s3+s2] =	stream.indirect_vreg.scatter [tilespmem:s0], [sflag:$0x1], $0x80, v3, vm0, $0xb8;
	[tilespmem:$0x10100] =	vst v63  }
0x6f: {  	s0 =	simm.s32 $0xE900  }
0x70: {  	[hbm4b:s4+s2] =	stream.indirect_vreg.scatter [tilespmem:s0], [sflag:$0x1], $0x80, v3, vm0, $0xb8;
	[tilespmem:$0x10100] =	vst v63  }
0x71: {  	s0 =	simm.s32 $0xF100  }
0x72: {  	[hbm4b:s5+s2] =	stream.indirect_vreg.scatter [tilespmem:s0], [sflag:$0x1], $0x80, v3, vm0, $0xb8;
	[tilespmem:$0x10100] =	vst v63  }
0x73: {  	s0 =	simm.s32 $0xF900  }
0x74: {  	[hbm4b:s6+s2] =	stream.indirect_vreg.scatter [tilespmem:s0], [sflag:$0x1], $0x80, v3, vm0, $0xb8;
	[tilespmem:$0x10100] =	vst v63  }
0x75: {  	v3 =	vld [tilespmem:$0x80];
	_ =	sdelay $0x4  }
0x76: {  	v60 =	vshll.u32 v3, $0x3  }
0x77: {  	v3 =	vand.u32 $0x7, v3;
	v4 =	vand.u32 $0xFFFFFFC0, v60  }
0x78: {  	v3 =	vor.u32 v3, v4  }
0x79: {  	v4 =	vperm.xlane v3, v0;
	_ =	sdelay $0x1  }
0x7a: {  	v4 =	vadd.s32 v1, v4;
	_ =	sdelay $0x4  }
0x7b: {  	[hbm4b:s3+s2] =	stream.indirect_vreg.scatter [tilespmem:s18], [sflag:$0x1], $0x80, v4, vm0, $0xb8;
	[tilespmem:$0x10100] =	vst v63  }
0x7c: {  	v3 =	vperm.xlane v3, v2  }
0x7d: {  	[hbm4b:s4+s2] =	stream.indirect_vreg.scatter [tilespmem:s19], [sflag:$0x1], $0x80, v4, vm0, $0xb8;
	[tilespmem:$0x10100] =	vst v63  }
0x7e: {  	v3 =	vadd.s32 v1, v3  }
0x7f: {  	[hbm4b:s5+s2] =	stream.indirect_vreg.scatter [tilespmem:s20], [sflag:$0x1], $0x80, v4, vm0, $0xb8;
	[tilespmem:$0x10100] =	vst v63  }
0x80: {  	_ = 	snop  }
0x81: {  	[hbm4b:s6+s2] =	stream.indirect_vreg.scatter [tilespmem:s21], [sflag:$0x1], $0x80, v4, vm0, $0xb8;
	[tilespmem:$0x10100] =	vst v63  }
0x82: {  	_ = 	snop  }
0x83: {  	[hbm4b:s3+s2] =	stream.indirect_vreg.scatter [tilespmem:s22], [sflag:$0x1], $0x80, v3, vm0, $0xb8;
	[tilespmem:$0x10100] =	vst v63  }
0x84: {  	_ = 	snop  }
0x85: {  	[hbm4b:s4+s2] =	stream.indirect_vreg.scatter [tilespmem:s23], [sflag:$0x1], $0x80, v3, vm0, $0xb8;
	[tilespmem:$0x10100] =	vst v63  }
0x86: {  	_ = 	snop  }
0x87: {  	[hbm4b:s5+s2] =	stream.indirect_vreg.scatter [tilespmem:s24], [sflag:$0x1], $0x80, v3, vm0, $0xb8;
	[tilespmem:$0x10100] =	vst v63  }
0x88: {  	_ = 	snop  }
0x89: {  	[hbm4b:s6+s2] =	stream.indirect_vreg.scatter [tilespmem:s25], [sflag:$0x1], $0x80, v3, vm0, $0xb8;
	[tilespmem:$0x10100] =	vst v63  }
0x8a: {  	v3 =	vld [tilespmem:$0x90];
	_ =	sdelay $0x4  }
0x8b: {  	v61 =	vshll.u32 v3, $0x3  }
0x8c: {  	v3 =	vand.u32 $0x7, v3;
	v4 =	vand.u32 $0xFFFFFFC0, v61  }
0x8d: {  	v3 =	vor.u32 v3, v4  }
0x8e: {  	v4 =	vperm.xlane v3, v0;
	_ =	sdelay $0x1  }
0x8f: {  	v4 =	vadd.s32 v1, v4;
	_ =	sdelay $0x4  }
0x90: {  	[hbm4b:s3+s2] =	stream.indirect_vreg.scatter [tilespmem:s26], [sflag:$0x1], $0x80, v4, vm0, $0xb8;
	[tilespmem:$0x10100] =	vst v63  }
0x91: {  	v3 =	vperm.xlane v3, v2  }
0x92: {  	[hbm4b:s4+s2] =	stream.indirect_vreg.scatter [tilespmem:s28], [sflag:$0x1], $0x80, v4, vm0, $0xb8;
	[tilespmem:$0x10100] =	vst v63  }
0x93: {  	v3 =	vadd.s32 v1, v3  }
0x94: {  	[hbm4b:s5+s2] =	stream.indirect_vreg.scatter [tilespmem:s29], [sflag:$0x1], $0x80, v4, vm0, $0xb8;
	[tilespmem:$0x10100] =	vst v63  }
0x95: {  	_ = 	snop  }
0x96: {  	[hbm4b:s6+s2] =	stream.indirect_vreg.scatter [tilespmem:s30], [sflag:$0x1], $0x80, v4, vm0, $0xb8;
	[tilespmem:$0x10100] =	vst v63  }
0x97: {  	_ = 	snop  }
0x98: {  	[hbm4b:s3+s2] =	stream.indirect_vreg.scatter [tilespmem:s31], [sflag:$0x1], $0x80, v3, vm0, $0xb8;
	[tilespmem:$0x10100] =	vst v63  }
0x99: {  	_ = 	snop  }
0x9a: {  	[hbm4b:s4+s2] =	stream.indirect_vreg.scatter [tilespmem:s1], [sflag:$0x1], $0x80, v3, vm0, $0xb8;
	[tilespmem:$0x10100] =	vst v63  }
0x9b: {  	s20 =	simm.s32 $0x7100  }
0x9c: {  	[hbm4b:s5+s2] =	stream.indirect_vreg.scatter [tilespmem:s20], [sflag:$0x1], $0x80, v3, vm0, $0xb8;
	[tilespmem:$0x10100] =	vst v63  }
0x9d: {  	_ = 	snop  }
0x9e: {  	[hbm4b:s6+s2] =	stream.indirect_vreg.scatter [tilespmem:s10], [sflag:$0x1], $0x80, v3, vm0, $0xb8;
	[tilespmem:$0x10100] =	vst v63  }
0x9f: {  	v3 =	vld [tilespmem:$0xA0];
	_ =	sdelay $0x4  }
0xa0: {  	v62 =	vshll.u32 v3, $0x3  }
0xa1: {  	v3 =	vand.u32 $0x7, v3;
	v4 =	vand.u32 $0xFFFFFFC0, v62  }
0xa2: {  	v3 =	vor.u32 v3, v4  }
0xa3: {  	v4 =	vperm.xlane v3, v0;
	_ =	sdelay $0x1  }
0xa4: {  	v4 =	vadd.s32 v1, v4;
	_ =	sdelay $0x4  }
0xa5: {  	[hbm4b:s3+s2] =	stream.indirect_vreg.scatter [tilespmem:s11], [sflag:$0x1], $0x80, v4, vm0, $0xb8;
	[tilespmem:$0x10100] =	vst v63  }
0xa6: {  	v3 =	vperm.xlane v3, v2  }
0xa7: {  	[hbm4b:s4+s2] =	stream.indirect_vreg.scatter [tilespmem:s12], [sflag:$0x1], $0x80, v4, vm0, $0xb8;
	[tilespmem:$0x10100] =	vst v63  }
0xa8: {  	v3 =	vadd.s32 v1, v3  }
0xa9: {  	[hbm4b:s5+s2] =	stream.indirect_vreg.scatter [tilespmem:s13], [sflag:$0x1], $0x80, v4, vm0, $0xb8;
	[tilespmem:$0x10100] =	vst v63  }
0xaa: {  	_ = 	snop  }
0xab: {  	[hbm4b:s6+s2] =	stream.indirect_vreg.scatter [tilespmem:s14], [sflag:$0x1], $0x80, v4, vm0, $0xb8;
	[tilespmem:$0x10100] =	vst v63  }
0xac: {  	_ = 	snop  }
0xad: {  	[hbm4b:s3+s2] =	stream.indirect_vreg.scatter [tilespmem:s15], [sflag:$0x1], $0x80, v3, vm0, $0xb8;
	[tilespmem:$0x10100] =	vst v63  }
0xae: {  	_ = 	snop  }
0xaf: {  	[hbm4b:s4+s2] =	stream.indirect_vreg.scatter [tilespmem:s16], [sflag:$0x1], $0x80, v3, vm0, $0xb8;
	[tilespmem:$0x10100] =	vst v63  }
0xb0: {  	_ = 	snop  }
0xb1: {  	[hbm4b:s5+s2] =	stream.indirect_vreg.scatter [tilespmem:s17], [sflag:$0x1], $0x80, v3, vm0, $0xb8;
	[tilespmem:$0x10100] =	vst v63  }
0xb2: {  	_ = 	snop  }
0xb3: {  	[hbm4b:s6+s2] =	stream.indirect_vreg.scatter [tilespmem:s9], [sflag:$0x1], $0x80, v3, vm0, $0xb8;
	[tilespmem:$0x10100] =	vst v63  }
0xb4: {  	v3 =	vld [tilespmem:$0xB0];
	_ =	sdelay $0x4  }
0xb5: {  	v63 =	vshll.u32 v3, $0x3  }
0xb6: {  	v3 =	vand.u32 $0x7, v3;
	v4 =	vand.u32 $0xFFFFFFC0, v63  }
0xb7: {  	v3 =	vor.u32 v3, v4  }
0xb8: {  	v4 =	vperm.xlane v3, v0;
	_ =	sdelay $0x1  }
0xb9: {  	v4 =	vadd.s32 v1, v4;
	_ =	sdelay $0x3  }
0xba: {  	s19 =	simm.s32 $0xC100  }
0xbb: {  	[hbm4b:s3+s2] =	stream.indirect_vreg.scatter [tilespmem:s19], [sflag:$0x1], $0x80, v4, vm0, $0xb8;
	[tilespmem:$0x10100] =	vst v63  }
0xbc: {  	s20 =	simm.s32 $0xC900;
	v3 =	vperm.xlane v3, v2  }
0xbd: {  	[hbm4b:s4+s2] =	stream.indirect_vreg.scatter [tilespmem:s20], [sflag:$0x1], $0x80, v4, vm0, $0xb8;
	[tilespmem:$0x10100] =	vst v63  }
0xbe: {  	v3 =	vadd.s32 v1, v3;
	s19 =	simm.s32 $0xD100  }
0xbf: {  	[hbm4b:s5+s2] =	stream.indirect_vreg.scatter [tilespmem:s19], [sflag:$0x1], $0x80, v4, vm0, $0xb8;
	[tilespmem:$0x10100] =	vst v63  }
0xc0: {  	s20 =	simm.s32 $0xD900  }
0xc1: {  	[hbm4b:s6+s2] =	stream.indirect_vreg.scatter [tilespmem:s20], [sflag:$0x1], $0x80, v4, vm0, $0xb8;
	[tilespmem:$0x10100] =	vst v63  }
0xc2: {  	s19 =	simm.s32 $0xE100  }
0xc3: {  	[hbm4b:s3+s2] =	stream.indirect_vreg.scatter [tilespmem:s19], [sflag:$0x1], $0x80, v3, vm0, $0xb8;
	[tilespmem:$0x10100] =	vst v63  }
0xc4: {  	s20 =	simm.s32 $0xE900  }
0xc5: {  	[hbm4b:s4+s2] =	stream.indirect_vreg.scatter [tilespmem:s20], [sflag:$0x1], $0x80, v3, vm0, $0xb8;
	[tilespmem:$0x10100] =	vst v63  }
0xc6: {  	s19 =	simm.s32 $0xF100  }
0xc7: {  	[hbm4b:s5+s2] =	stream.indirect_vreg.scatter [tilespmem:s19], [sflag:$0x1], $0x80, v3, vm0, $0xb8;
	[tilespmem:$0x10100] =	vst v63  }
0xc8: {  	s20 =	simm.s32 $0x1  }
0xc9: {  	[hbm4b:s6+s2] =	stream.indirect_vreg.scatter [tilespmem:s0], [sflag:$0x1], $0x80, v3, vm0, $0xb8;
	[tilespmem:$0x10100] =	vst v63  }
0xca: {  	p0 =	sne.s32 s7, $0x1;
	_ =	swait.ge [sflag:s20], $0x10000  }
.Ltmp0:
0xcb: {  	[sflag:s20] =	ssyncset.done $0x0;
	(pc) =	sbr.rel @p0 .LBB2_1-.Ltmp0, $4  }
0xcc: {  	[sflag:s20] =	ssyncadd.s32 $0xFFFF0000  }
0xcd: {  	_ =	swait.ge [sflag:s20], $0x10000  }
0xce: {  	[sflag:s20] =	ssyncset.done $0x0  }
0xcf: {  	s7 =	sadd.s32 $0xFFFFFFFF, s7;
	[sflag:s20] =	ssyncadd.s32 $0xFFFF0000  }
0xd0: {  	_ =	sfence.sel $0x180000  }
0xd1: {  	[bflag:$0x0] =	sbarrier.arrive $0xFFFF  }
0xd2: {  	_ =	strace $0x90000047  }
0xd3: {  	s0 =	stileid.u32;
	[bflag:$0x2] =	sbarrier.arrive $0xFFFF  }
0xd4: {  	p0 =	sne.s32 s0, $0x0;
	s0 =	rddreg [dreg:$0x2]  }
0xd5: {  	s0 =	sadd.s32 @!p0 $0x100000, s0  }
0xd6: {  	[sflag:s0] =	ssyncadd.tile.s32 @!p0 $0x1;
	_ =	shalt  }
.Lfunc_end2:
_tile_overlayer_lowered:
.L_overlay_start_2:
0xd7: {  	(tag) =	ssettag $0x2  }
0xd8: {  	s0 =	rddreg [dreg:$0x0];
	s2 =	stileid.u32  }
0xd9: {  	s1 =	rddreg [dreg:$0x1];
	p0 =	sne.s32 s2, $0x0  }
0xda: {  	s3 =	rddreg [dreg:$0x2];
	[bflag:$0x3] =	sbarrier.arrive $0xFFFF;
	s2 =	simm.s32 @!p0 $0x1C02  }
0xdb: {  	[timem:s3], [sflag:s2] =	dma.local @!p0 [hbm:s0], s1  }
0xdc: {  	s0 =	simm.s32 @!p0 $0x2  }
0xdd: {  	_ =	swait.ge @!p0 [sflag:s0], s1  }
0xde: {  	s1 =	ssub.s32 @!p0 $0x0, s1;
	[sflag:s0] =	ssyncset.done @!p0 $0x0  }
0xdf: {  	[sflag:s0] =	ssyncadd.s32 @!p0 s1  }
0xe0: {  	[bflag:$0x3] =	sbarrier.arrive $0xFFFF  }
0xe1: {  	_ =	shalt  }

</sc_bundles>
